<compile_context>
chip_gen: v7x
topology: tpu7x:2x2x1
jax: 0.10.2.dev20260603
libtpu: 0.0.44.dev20260713+nightly
codegen_flags: <defaults>
</compile_context>

<pallas_src>
import functools

import jax
import jax.numpy as jnp
from jax import lax
from jax.experimental import pallas as pl
from jax.experimental.pallas import tpu as pltpu
from jax.experimental.pallas import tpu_sc as plsc

N, F, E = 10000, 128, 320000
B, A, H = 256, 10, 128

NC, NS, L = 2, 16, 16
RPT = 320
NPAD = NC * NS * RPT
BACC = B + 16
CHUNK = 64
NCH = RPT // CHUNK
GPT = B // NS
CUR_PT = B // (NC * NS)


def _elu(x):
    return jnp.where(x > 0, x, jnp.exp(x) - 1.0)



def _encode_scan_kernel(nf_ref, w1_ref, b1_ref, w2_ref, b2_ref, w3_ref,
                        b3_ref, bcol_ref, mb_ref, brow_ref,
                        h_ref, maxp_ref, cnt_ref):
    f32 = jnp.float32
    x = nf_ref[...]
    h = _elu(jnp.dot(x, w1_ref[...], preferred_element_type=f32) + b1_ref[...])
    h = _elu(jnp.dot(h, w2_ref[...], preferred_element_type=f32) + b2_ref[...])
    h = _elu(jnp.dot(h, w3_ref[...], preferred_element_type=f32) + b3_ref[...])
    h_ref[pl.ds(0, N), :] = h
    h_ref[pl.ds(N, NPAD - N), :] = jnp.zeros((NPAD - N, F), dtype=f32)

    h_scan = h
    b_col = bcol_ref[...]
    step = 1
    while step < N:
        shifted = jnp.concatenate(
            [jnp.full((step, F), -jnp.inf, dtype=f32),
             h_scan[:N - step, :]], axis=0)
        bshift = jnp.concatenate(
            [jnp.full((step, 1), -1, dtype=jnp.int32),
             b_col[:N - step, :]], axis=0)
        pen = jnp.where(b_col == bshift, 0.0, -jnp.inf).astype(f32)
        h_scan = jnp.maximum(h_scan, shifted + pen)
        step *= 2

    C = 2000
    seg_iota = lax.broadcasted_iota(jnp.int32, (B, C), 0)
    max_p = jnp.zeros((B, F), dtype=f32)
    counts = jnp.zeros((B, 1), dtype=f32)
    for off in range(0, N, C):
        lastsel = (seg_iota == mb_ref[:, off:off + C]).astype(f32)
        max_p = max_p + jnp.dot(lastsel, h_scan[off:off + C, :],
                                preferred_element_type=f32)
        onehot = (seg_iota == brow_ref[:, off:off + C]).astype(f32)
        counts = counts + jnp.sum(onehot, axis=1, keepdims=True)

    maxp_ref[...] = jnp.where(counts > 0, max_p, -jnp.inf)
    cnt_ref[...] = counts



def _sc_pool_body(h_hbm, batch3d_hbm, cur_hbm,
                  out_sum, out_cur,
                  rows_v, idx_v, cur_idx, cur_rows, mbuf,
                  shared_sum, sem, sem2):
    c = lax.axis_index("c")
    s = lax.axis_index("s")
    wid = c * NS + s
    row0 = wid * RPT

    zero16 = jnp.zeros((L,), dtype=jnp.float32)

    rows_cp = pltpu.make_async_copy(h_hbm.at[pl.ds(row0, RPT)], rows_v, sem)
    rows_cp.start()
    idx_cp = pltpu.make_async_copy(batch3d_hbm.at[wid], idx_v, sem2)
    idx_cp.start()

    def init_z(i, carry):
        for j in range(F // L):
            mbuf[i, pl.ds(L * j, L)] = zero16
        return carry
    lax.fori_loop(0, GPT, init_z, 0)

    pltpu.sync_copy(mbuf, shared_sum.at[pl.ds(GPT * s, GPT)])

    @pl.when(s == 0)
    def _zero_pad_rows():
        pltpu.sync_copy(mbuf, shared_sum.at[pl.ds(B, BACC - B)])

    rows_cp.wait()
    idx_cp.wait()
    plsc.subcore_barrier()

    descs = []
    for k in range(NCH):
        descs.append(pltpu.async_copy(
            rows_v.at[pl.ds(CHUNK * k, CHUNK)],
            shared_sum.at[idx_v.at[k]], sem, add=True))

    pltpu.sync_copy(cur_hbm.at[pl.ds(wid * CUR_PT, CUR_PT)], cur_idx)
    pltpu.async_copy(h_hbm.at[cur_idx], cur_rows, sem2).wait()
    pltpu.sync_copy(cur_rows, out_cur.at[pl.ds(wid * CUR_PT, CUR_PT)])

    for d in descs:
        d.wait()

    plsc.subcore_barrier()

    pltpu.sync_copy(shared_sum.at[pl.ds(GPT * s, GPT)],
                    out_sum.at[c, pl.ds(GPT * s, GPT)])


@functools.lru_cache(maxsize=1)
def _make_sc_pool():
    return functools.partial(
        pl.kernel,
        out_type=(
            jax.ShapeDtypeStruct((NC, B, F), jnp.float32),
            jax.ShapeDtypeStruct((B, F), jnp.float32),
        ),
        mesh=plsc.VectorSubcoreMesh(core_axis_name="c", subcore_axis_name="s",
                                    num_cores=NC, num_subcores=NS),
        scratch_types=[
            pltpu.VMEM((RPT, F), jnp.float32),
            pltpu.VMEM((NCH, CHUNK), jnp.int32),
            pltpu.VMEM((CUR_PT,), jnp.int32),
            pltpu.VMEM((CUR_PT, F), jnp.float32),
            pltpu.VMEM((GPT, F), jnp.float32),
            pltpu.VMEM_SHARED((BACC, F), jnp.float32),
            pltpu.SemaphoreType.DMA,
            pltpu.SemaphoreType.DMA,
        ],
    )(_sc_pool_body)



def _heads_kernel(sum_ref, maxp_ref, cnt_ref, cur_ref, mask_ref,
                  wa1_ref, ba1_ref, wa2_ref, ba2_ref,
                  wc1_ref, bc1_ref, wc2_ref, bc2_ref,
                  probs_ref, values_ref):
    f32 = jnp.float32
    seg_sum = sum_ref[0] + sum_ref[1]
    counts = cnt_ref[...]
    mean_p = seg_sum / jnp.maximum(counts, 1.0)

    graph_emb = jnp.concatenate([mean_p, maxp_ref[...]], axis=-1)
    actor_in = jnp.concatenate([graph_emb, cur_ref[...]], axis=-1)
    a = _elu(jnp.dot(actor_in, wa1_ref[...], preferred_element_type=f32)
             + ba1_ref[...])
    logits = jnp.dot(a, wa2_ref[...], preferred_element_type=f32) + ba2_ref[...]

    amask = mask_ref[...]
    has_valid = jnp.sum(amask, axis=-1, keepdims=True) > 0
    safe_mask = jnp.where(has_valid, amask, jnp.ones_like(amask))
    logits = jnp.where(safe_mask == 0, -jnp.inf, logits)
    m = jnp.max(logits, axis=-1, keepdims=True)
    e = jnp.exp(logits - m)
    probs = e / jnp.sum(e, axis=-1, keepdims=True)
    nan_mask = jnp.any(jnp.isnan(probs), axis=-1, keepdims=True)
    probs_ref[...] = jnp.where(nan_mask, jnp.full_like(probs, 1.0 / A), probs)

    c = _elu(jnp.dot(graph_emb, wc1_ref[...], preferred_element_type=f32)
             + bc1_ref[...])
    values_ref[...] = (jnp.dot(c, wc2_ref[...], preferred_element_type=f32)
                       + bc2_ref[...])


@jax.jit
def _run(node_features, action_mask, current_node, batch,
         W1, b1, W2, b2, W3, b3, Wa1, ba1, Wa2, ba2, Wc1, bc1, Wc2, bc2):
    f32 = jnp.float32
    batch_i32 = batch.astype(jnp.int32)
    nxt = jnp.concatenate(
        [batch_i32[1:], jnp.full((1,), -1, dtype=jnp.int32)])
    mb = jnp.where(batch_i32 != nxt, batch_i32, -1)
    batch_pad = jnp.full((NPAD,), B, dtype=jnp.int32).at[:N].set(batch_i32)
    batch3d = batch_pad.reshape(NC * NS, NCH, CHUNK)
    cur = current_node.astype(jnp.int32)

    h, max_p, counts = pl.pallas_call(
        _encode_scan_kernel,
        out_shape=(jax.ShapeDtypeStruct((NPAD, F), f32),
                   jax.ShapeDtypeStruct((B, F), f32),
                   jax.ShapeDtypeStruct((B, 1), f32)),
    )(node_features, W1, b1.reshape(1, H), W2, b2.reshape(1, H),
      W3, b3.reshape(1, H), batch_i32.reshape(N, 1), mb.reshape(1, N),
      batch_i32.reshape(1, N))

    seg_sum, cur_emb = _make_sc_pool()(h, batch3d, cur)

    return pl.pallas_call(
        _heads_kernel,
        out_shape=(jax.ShapeDtypeStruct((B, A), f32),
                   jax.ShapeDtypeStruct((B, 1), f32)),
    )(seg_sum, max_p, counts, cur_emb, action_mask,
      Wa1, ba1.reshape(1, 256), Wa2, ba2.reshape(1, A),
      Wc1, bc1.reshape(1, 256), Wc2, bc2.reshape(1, 1))


def kernel(node_features, edge_index, edge_features, action_mask, current_node,
           batch, W1, b1, W2, b2, W3, b3, Wa1, ba1, Wa2, ba2, Wc1, bc1,
           Wc2, bc2):
    del edge_index, edge_features
    return _run(node_features, action_mask, current_node, batch,
                W1, b1, W2, b2, W3, b3, Wa1, ba1, Wa2, ba2,
                Wc1, bc1, Wc2, bc2)

# --- scband reference (transcript-rebuilt; emitter-appended) ---
"""Pipeline reference for scband-actor-critic-44702019617001 (READ-ONLY COPY).

The authoritative reference and input builder live on the scoring server;
editing this copy changes nothing except your own understanding.
"""

import jax, jax.numpy as jnp
import numpy as np

N, F, E = 10000, 128, 320000
B, A, H = 256, 10, 128

def setup_inputs(seed: int = 0) -> dict:
    key = jax.random.key(seed)
    ks = jax.random.split(key, 24)
    inp = {}
    inp['node_features'] = jax.random.normal(ks[0], (N, F), dtype=jnp.float32)
    inp['edge_index'] = jax.random.randint(ks[1], (2, E), 0, N)
    inp['edge_features'] = jax.random.normal(ks[2], (E, 4), dtype=jnp.float32)
    inp['action_mask'] = jax.random.randint(ks[3], (B, A), 0, 2).astype(jnp.float32)
    inp['current_node'] = jax.random.randint(ks[4], (B,), 0, N)
    inp['batch'] = jnp.sort(jax.random.randint(ks[5], (N,), 0, B))
    # MLP encoder params (use_mlp_encoder=True)
    inp['W1'] = jax.random.normal(ks[6], (F, H), dtype=jnp.float32) * 0.05
    inp['b1'] = jnp.zeros((H,), dtype=jnp.float32)
    inp['W2'] = jax.random.normal(ks[7], (H, H), dtype=jnp.float32) * 0.05
    inp['b2'] = jnp.zeros((H,), dtype=jnp.float32)
    inp['W3'] = jax.random.normal(ks[8], (H, H), dtype=jnp.float32) * 0.05
    inp['b3'] = jnp.zeros((H,), dtype=jnp.float32)
    # actor: in_dim = 2*H + H = 384
    inp['Wa1'] = jax.random.normal(ks[9], (3 * H, 256), dtype=jnp.float32) * 0.05
    inp['ba1'] = jnp.zeros((256,), dtype=jnp.float32)
    inp['Wa2'] = jax.random.normal(ks[10], (256, A), dtype=jnp.float32) * 0.05
    inp['ba2'] = jnp.zeros((A,), dtype=jnp.float32)
    # critic: in_dim = 2*H = 256
    inp['Wc1'] = jax.random.normal(ks[11], (2 * H, 256), dtype=jnp.float32) * 0.05
    inp['bc1'] = jnp.zeros((256,), dtype=jnp.float32)
    inp['Wc2'] = jax.random.normal(ks[12], (256, 1), dtype=jnp.float32) * 0.05
    inp['bc2'] = jnp.zeros((1,), dtype=jnp.float32)
    return inp

def reference(node_features, edge_index, edge_features, action_mask, current_node, batch,
              W1, b1, W2, b2, W3, b3, Wa1, ba1, Wa2, ba2, Wc1, bc1, Wc2, bc2):
    # MLP encoder (use_mlp_encoder=True branch of ActorCritic.forward)
    h = jax.nn.elu(node_features @ W1 + b1)
    h = jax.nn.elu(h @ W2 + b2)
    h = jax.nn.elu(h @ W3 + b3)
    num_g = action_mask.shape[0]
    # mean pooling via scatter-add
    mean_p = jax.ops.segment_sum(h, batch, num_segments=num_g)
    counts = jax.ops.segment_sum(jnp.ones((h.shape[0],), dtype=h.dtype), batch, num_segments=num_g)
    mean_p = mean_p / jnp.clip(counts, 1.0, None)[:, None]
    # max pooling via scatter-amax (init -inf, matching torch scatter_reduce_ amax)
    max_p = jax.ops.segment_max(h, batch, num_segments=num_g)
    graph_emb = jnp.concatenate([mean_p, max_p], axis=-1)
    node_emb = h
    current_emb = node_emb[current_node]
    actor_input = jnp.concatenate([graph_emb, current_emb], axis=-1)
    a = jax.nn.elu(actor_input @ Wa1 + ba1)
    logits = a @ Wa2 + ba2
    has_valid = action_mask.sum(axis=-1, keepdims=True) > 0
    safe_mask = jnp.where(has_valid, action_mask, jnp.ones_like(action_mask))
    logits = jnp.where(safe_mask == 0, -jnp.inf, logits)
    action_probs = jax.nn.softmax(logits, axis=-1)
    nan_mask = jnp.any(jnp.isnan(action_probs), axis=-1, keepdims=True)
    uniform = jnp.ones_like(action_probs) / action_probs.shape[-1]
    action_probs = jnp.where(nan_mask, uniform, action_probs)
    c = jax.nn.elu(graph_emb @ Wc1 + bc1)
    values = c @ Wc2 + bc2
    return (action_probs, values)

if False:  # reference __main__ guard neutralized (emitter)
    out = reference(**setup_inputs())
    print(out[0].shape, out[1].shape)

if __name__ == "__main__":
    import jax
    _d = setup_inputs()
    print(jax.jit(kernel)(*tuple(_d.values())))

</pallas_src>

<mosaic_0001>
#map = affine_map<(d0, d1) -> (0, 0)>
#map1 = affine_map<(d0, d1) -> (0, 0, 0)>
#map2 = affine_map<(d0, d1) -> (0)>
module attributes {stable_mosaic.version = 14 : i64} {
  func.func @_sc_pool_body(%arg0: i32, %arg1: i32, %arg2: memref<10240x128xf32, #tpu.memory_space<hbm>>, %arg3: memref<32x5x64xi32, #tpu.memory_space<hbm>>, %arg4: memref<256xi32, #tpu.memory_space<hbm>>, %arg5: memref<2x256x128xf32, #tpu.memory_space<hbm>>, %arg6: memref<256x128xf32, #tpu.memory_space<hbm>>, %arg7: memref<320x128xf32, #tpu.memory_space<vmem>>, %arg8: memref<5x64xi32, #tpu.memory_space<vmem>>, %arg9: memref<8xi32, #tpu.memory_space<vmem>>, %arg10: memref<8x128xf32, #tpu.memory_space<vmem>>, %arg11: memref<16x128xf32, #tpu.memory_space<vmem>>, %arg12: memref<272x128xf32, #tpu.memory_space<vmem_shared>>, %arg13: memref<!tpu.dma_semaphore, #tpu.memory_space<semaphore_mem>>, %arg14: memref<!tpu.dma_semaphore, #tpu.memory_space<semaphore_mem>>) attributes {dimension_semantics = [#tpu.dimension_semantics<core_parallel>, #tpu.dimension_semantics<subcore_parallel>], iteration_bounds = array<i64: 2, 16>, scalar_prefetch = 0 : i64, scratch_operands = 8 : i64, tpu.core_type = #tpu.core_type<sc_vector_subcore>, window_params = [{transform_indices = #map}, {transform_indices = #map1}, {transform_indices = #map2}, {transform_indices = #map1}, {transform_indices = #map}]} {
    %mul3A = arith.constant 16 : i32
    %mul3A_0 = arith.muli %arg0, %mul3A : i32
    %add3A = arith.addi %mul3A_0, %arg1 : i32
    %mul3A_1 = arith.constant 320 : i32
    %mul3A_2 = arith.muli %add3A, %mul3A_1 : i32
    %broadcast_in_dim3A = arith.constant 0.000000e+00 : f32
    %broadcast_in_dim3A_3 = vector.broadcast %broadcast_in_dim3A : f32 to vector<16xf32>
    %dma_start3A = arith.constant 0 : i32
    %dma_start3A_4 = tpu.memref_slice %arg2[%mul3A_2, %dma_start3A] : memref<10240x128xf32, #tpu.memory_space<hbm>> -> memref<320x128xf32, #tpu.memory_space<hbm>>
    %dma_start3A_5 = arith.constant 0 : i32
    %dma_start3A_6 = tpu.memref_slice %arg2[%mul3A_2, %dma_start3A_5] : memref<10240x128xf32, #tpu.memory_space<hbm>> -> memref<320x128xf32, #tpu.memory_space<hbm>>
    tpu.enqueue_dma source(%dma_start3A_6 : memref<320x128xf32, #tpu.memory_space<hbm>>) target(%arg7 : memref<320x128xf32, #tpu.memory_space<vmem>>) target_semaphore(%arg13 : memref<!tpu.dma_semaphore, #tpu.memory_space<semaphore_mem>>)
    %dma_start3A_7 = arith.constant 0 : i32
    %dma_start3A_8 = arith.constant 0 : i32
    %dma_start3A_9 = tpu.memref_slice %arg3[%add3A, %dma_start3A_7, %dma_start3A_8] : memref<32x5x64xi32, #tpu.memory_space<hbm>> -> memref<1x5x64xi32, #tpu.memory_space<hbm>>
    %dma_start3A_10 = tpu.memref_squeeze %dma_start3A_9 : memref<1x5x64xi32, #tpu.memory_space<hbm>> -> memref<5x64xi32, #tpu.memory_space<hbm>>
    %dma_start3A_11 = arith.constant 0 : i32
    %dma_start3A_12 = arith.constant 0 : i32
    %dma_start3A_13 = tpu.memref_slice %arg3[%add3A, %dma_start3A_11, %dma_start3A_12] : memref<32x5x64xi32, #tpu.memory_space<hbm>> -> memref<1x5x64xi32, #tpu.memory_space<hbm>>
    %dma_start3A_14 = tpu.memref_squeeze %dma_start3A_13 : memref<1x5x64xi32, #tpu.memory_space<hbm>> -> memref<5x64xi32, #tpu.memory_space<hbm>>
    tpu.enqueue_dma source(%dma_start3A_14 : memref<5x64xi32, #tpu.memory_space<hbm>>) target(%arg8 : memref<5x64xi32, #tpu.memory_space<vmem>>) target_semaphore(%arg14 : memref<!tpu.dma_semaphore, #tpu.memory_space<semaphore_mem>>)
    %scan3A = arith.constant 0 : i32
    %scan3A_15 = arith.constant 0 : i32
    %scan3A_16 = arith.constant 16 : i32
    %scan3A_17 = arith.addi %scan3A_15, %scan3A_16 : i32
    %scan3A_18 = arith.constant 1 : i32
    scf.for %scan3A_150 = %scan3A_15 to %scan3A_17 step %scan3A_18  : i32 {
      %swap3A = arith.index_cast %scan3A_150 : i32 to index
      %swap3A_151 = arith.constant 0 : index
      %swap3A_152 = tpu.vector_load %arg11[%swap3A, %swap3A_151] {strides = array<i32>} : memref<16x128xf32, #tpu.memory_space<vmem>>, vector<1x16xf32>,
      %swap3A_153 = vector.shape_cast %swap3A_152 : vector<1x16xf32> to vector<16xf32>
      %swap3A_154 = vector.shape_cast %broadcast_in_dim3A_3 : vector<16xf32> to vector<1x16xf32>
      tpu.vector_store %arg11[%swap3A, %swap3A_151], %swap3A_154 {strides = array<i32>} : memref<16x128xf32, #tpu.memory_space<vmem>>, vector<1x16xf32>,
      %swap3A_155 = arith.index_cast %scan3A_150 : i32 to index
      %swap3A_156 = arith.constant 16 : index
      %swap3A_157 = tpu.vector_load %arg11[%swap3A_155, %swap3A_156] {strides = array<i32>} : memref<16x128xf32, #tpu.memory_space<vmem>>, vector<1x16xf32>,
      %swap3A_158 = vector.shape_cast %swap3A_157 : vector<1x16xf32> to vector<16xf32>
      %swap3A_159 = vector.shape_cast %broadcast_in_dim3A_3 : vector<16xf32> to vector<1x16xf32>
      tpu.vector_store %arg11[%swap3A_155, %swap3A_156], %swap3A_159 {strides = array<i32>} : memref<16x128xf32, #tpu.memory_space<vmem>>, vector<1x16xf32>,
      %swap3A_160 = arith.index_cast %scan3A_150 : i32 to index
      %swap3A_161 = arith.constant 32 : index
      %swap3A_162 = tpu.vector_load %arg11[%swap3A_160, %swap3A_161] {strides = array<i32>} : memref<16x128xf32, #tpu.memory_space<vmem>>, vector<1x16xf32>,
      %swap3A_163 = vector.shape_cast %swap3A_162 : vector<1x16xf32> to vector<16xf32>
      %swap3A_164 = vector.shape_cast %broadcast_in_dim3A_3 : vector<16xf32> to vector<1x16xf32>
      tpu.vector_store %arg11[%swap3A_160, %swap3A_161], %swap3A_164 {strides = array<i32>} : memref<16x128xf32, #tpu.memory_space<vmem>>, vector<1x16xf32>,
      %swap3A_165 = arith.index_cast %scan3A_150 : i32 to index
      %swap3A_166 = arith.constant 48 : index
      %swap3A_167 = tpu.vector_load %arg11[%swap3A_165, %swap3A_166] {strides = array<i32>} : memref<16x128xf32, #tpu.memory_space<vmem>>, vector<1x16xf32>,
      %swap3A_168 = vector.shape_cast %swap3A_167 : vector<1x16xf32> to vector<16xf32>
      %swap3A_169 = vector.shape_cast %broadcast_in_dim3A_3 : vector<16xf32> to vector<1x16xf32>
      tpu.vector_store %arg11[%swap3A_165, %swap3A_166], %swap3A_169 {strides = array<i32>} : memref<16x128xf32, #tpu.memory_space<vmem>>, vector<1x16xf32>,
      %swap3A_170 = arith.index_cast %scan3A_150 : i32 to index
      %swap3A_171 = arith.constant 64 : index
      %swap3A_172 = tpu.vector_load %arg11[%swap3A_170, %swap3A_171] {strides = array<i32>} : memref<16x128xf32, #tpu.memory_space<vmem>>, vector<1x16xf32>,
      %swap3A_173 = vector.shape_cast %swap3A_172 : vector<1x16xf32> to vector<16xf32>
      %swap3A_174 = vector.shape_cast %broadcast_in_dim3A_3 : vector<16xf32> to vector<1x16xf32>
      tpu.vector_store %arg11[%swap3A_170, %swap3A_171], %swap3A_174 {strides = array<i32>} : memref<16x128xf32, #tpu.memory_space<vmem>>, vector<1x16xf32>,
      %swap3A_175 = arith.index_cast %scan3A_150 : i32 to index
      %swap3A_176 = arith.constant 80 : index
      %swap3A_177 = tpu.vector_load %arg11[%swap3A_175, %swap3A_176] {strides = array<i32>} : memref<16x128xf32, #tpu.memory_space<vmem>>, vector<1x16xf32>,
      %swap3A_178 = vector.shape_cast %swap3A_177 : vector<1x16xf32> to vector<16xf32>
      %swap3A_179 = vector.shape_cast %broadcast_in_dim3A_3 : vector<16xf32> to vector<1x16xf32>
      tpu.vector_store %arg11[%swap3A_175, %swap3A_176], %swap3A_179 {strides = array<i32>} : memref<16x128xf32, #tpu.memory_space<vmem>>, vector<1x16xf32>,
      %swap3A_180 = arith.index_cast %scan3A_150 : i32 to index
      %swap3A_181 = arith.constant 96 : index
      %swap3A_182 = tpu.vector_load %arg11[%swap3A_180, %swap3A_181] {strides = array<i32>} : memref<16x128xf32, #tpu.memory_space<vmem>>, vector<1x16xf32>,
      %swap3A_183 = vector.shape_cast %swap3A_182 : vector<1x16xf32> to vector<16xf32>
      %swap3A_184 = vector.shape_cast %broadcast_in_dim3A_3 : vector<16xf32> to vector<1x16xf32>
      tpu.vector_store %arg11[%swap3A_180, %swap3A_181], %swap3A_184 {strides = array<i32>} : memref<16x128xf32, #tpu.memory_space<vmem>>, vector<1x16xf32>,
      %swap3A_185 = arith.index_cast %scan3A_150 : i32 to index
      %swap3A_186 = arith.constant 112 : index
      %swap3A_187 = tpu.vector_load %arg11[%swap3A_185, %swap3A_186] {strides = array<i32>} : memref<16x128xf32, #tpu.memory_space<vmem>>, vector<1x16xf32>,
      %swap3A_188 = vector.shape_cast %swap3A_187 : vector<1x16xf32> to vector<16xf32>
      %swap3A_189 = vector.shape_cast %broadcast_in_dim3A_3 : vector<16xf32> to vector<1x16xf32>
      tpu.vector_store %arg11[%swap3A_185, %swap3A_186], %swap3A_189 {strides = array<i32>} : memref<16x128xf32, #tpu.memory_space<vmem>>, vector<1x16xf32>,
    }
    %scan3A_19 = arith.constant 16 : i32
    %mul3A_20 = arith.constant 16 : i32
    %mul3A_21 = arith.muli %mul3A_20, %arg1 : i32
    "tpu.region"() ({
      %run_scoped3A = tpu.sem_alloc : memref<!tpu.dma_semaphore, #tpu.memory_space<semaphore_mem>>
      %dma_start3A_150 = arith.constant 0 : i32
      %dma_start3A_151 = tpu.memref_slice %arg12[%mul3A_21, %dma_start3A_150] : memref<272x128xf32, #tpu.memory_space<vmem_shared>> -> memref<16x128xf32, #tpu.memory_space<vmem_shared>>
      %dma_start3A_152 = arith.constant 0 : i32
      %dma_start3A_153 = tpu.memref_slice %arg12[%mul3A_21, %dma_start3A_152] : memref<272x128xf32, #tpu.memory_space<vmem_shared>> -> memref<16x128xf32, #tpu.memory_space<vmem_shared>>
      tpu.enqueue_dma source(%arg11 : memref<16x128xf32, #tpu.memory_space<vmem>>) target(%dma_start3A_153 : memref<16x128xf32, #tpu.memory_space<vmem_shared>>) target_semaphore(%run_scoped3A : memref<!tpu.dma_semaphore, #tpu.memory_space<semaphore_mem>>)
      %dma_wait3A_154 = arith.constant 0 : i32
      %dma_wait3A_155 = tpu.memref_slice %arg12[%mul3A_21, %dma_wait3A_154] : memref<272x128xf32, #tpu.memory_space<vmem_shared>> -> memref<16x128xf32, #tpu.memory_space<vmem_shared>>
      %dma_wait3A_156 = arith.constant 0 : i32
      %dma_wait3A_157 = tpu.memref_slice %arg12[%mul3A_21, %dma_wait3A_156] : memref<272x128xf32, #tpu.memory_space<vmem_shared>> -> memref<16x128xf32, #tpu.memory_space<vmem_shared>>
      tpu.wait_dma2 semaphore(%run_scoped3A : memref<!tpu.dma_semaphore, #tpu.memory_space<semaphore_mem>>) src(%arg11 : memref<16x128xf32, #tpu.memory_space<vmem>>) dst(%dma_wait3A_157 : memref<16x128xf32, #tpu.memory_space<vmem_shared>>)
      tpu.yield
    }) : () -> ()
    %eq3A = arith.constant 0 : i32
    %eq3A_22 = arith.cmpi eq, %arg1, %eq3A : i32
    %convert_element_type3A = arith.extui %eq3A_22 : i1 to i32
    %cond3A = arith.constant 0 : i32
    %cond3A_23 = arith.cmpi ne, %convert_element_type3A, %cond3A : i32
    scf.if %cond3A_23 {
      "tpu.region"() ({
        %run_scoped3A = tpu.sem_alloc : memref<!tpu.dma_semaphore, #tpu.memory_space<semaphore_mem>>
        %dma_start3A_150 = arith.constant 256 : i32
        %dma_start3A_151 = arith.constant 0 : i32
        %dma_start3A_152 = tpu.memref_slice %arg12[%dma_start3A_150, %dma_start3A_151] : memref<272x128xf32, #tpu.memory_space<vmem_shared>> -> memref<16x128xf32, #tpu.memory_space<vmem_shared>>
        %dma_start3A_153 = arith.constant 256 : i32
        %dma_start3A_154 = arith.constant 0 : i32
        %dma_start3A_155 = tpu.memref_slice %arg12[%dma_start3A_153, %dma_start3A_154] : memref<272x128xf32, #tpu.memory_space<vmem_shared>> -> memref<16x128xf32, #tpu.memory_space<vmem_shared>>
        tpu.enqueue_dma source(%arg11 : memref<16x128xf32, #tpu.memory_space<vmem>>) target(%dma_start3A_155 : memref<16x128xf32, #tpu.memory_space<vmem_shared>>) target_semaphore(%run_scoped3A : memref<!tpu.dma_semaphore, #tpu.memory_space<semaphore_mem>>)
        %dma_wait3A_156 = arith.constant 256 : i32
        %dma_wait3A_157 = arith.constant 0 : i32
        %dma_wait3A_158 = tpu.memref_slice %arg12[%dma_wait3A_156, %dma_wait3A_157] : memref<272x128xf32, #tpu.memory_space<vmem_shared>> -> memref<16x128xf32, #tpu.memory_space<vmem_shared>>
        %dma_wait3A_159 = arith.constant 256 : i32
        %dma_wait3A_160 = arith.constant 0 : i32
        %dma_wait3A_161 = tpu.memref_slice %arg12[%dma_wait3A_159, %dma_wait3A_160] : memref<272x128xf32, #tpu.memory_space<vmem_shared>> -> memref<16x128xf32, #tpu.memory_space<vmem_shared>>
        tpu.wait_dma2 semaphore(%run_scoped3A : memref<!tpu.dma_semaphore, #tpu.memory_space<semaphore_mem>>) src(%arg11 : memref<16x128xf32, #tpu.memory_space<vmem>>) dst(%dma_wait3A_161 : memref<16x128xf32, #tpu.memory_space<vmem_shared>>)
        tpu.yield
      }) : () -> ()
    } else {
    }
    %dma_wait3A = arith.constant 0 : i32
    %dma_wait3A_24 = tpu.memref_slice %arg2[%mul3A_2, %dma_wait3A] : memref<10240x128xf32, #tpu.memory_space<hbm>> -> memref<320x128xf32, #tpu.memory_space<hbm>>
    %dma_wait3A_25 = arith.constant 0 : i32
    %dma_wait3A_26 = tpu.memref_slice %arg2[%mul3A_2, %dma_wait3A_25] : memref<10240x128xf32, #tpu.memory_space<hbm>> -> memref<320x128xf32, #tpu.memory_space<hbm>>
    tpu.wait_dma2 semaphore(%arg13 : memref<!tpu.dma_semaphore, #tpu.memory_space<semaphore_mem>>) src(%dma_wait3A_26 : memref<320x128xf32, #tpu.memory_space<hbm>>) dst(%arg7 : memref<320x128xf32, #tpu.memory_space<vmem>>)
    %dma_wait3A_27 = arith.constant 0 : i32
    %dma_wait3A_28 = arith.constant 0 : i32
    %dma_wait3A_29 = tpu.memref_slice %arg3[%add3A, %dma_wait3A_27, %dma_wait3A_28] : memref<32x5x64xi32, #tpu.memory_space<hbm>> -> memref<1x5x64xi32, #tpu.memory_space<hbm>>
    %dma_wait3A_30 = tpu.memref_squeeze %dma_wait3A_29 : memref<1x5x64xi32, #tpu.memory_space<hbm>> -> memref<5x64xi32, #tpu.memory_space<hbm>>
    %dma_wait3A_31 = arith.constant 0 : i32
    %dma_wait3A_32 = arith.constant 0 : i32
    %dma_wait3A_33 = tpu.memref_slice %arg3[%add3A, %dma_wait3A_31, %dma_wait3A_32] : memref<32x5x64xi32, #tpu.memory_space<hbm>> -> memref<1x5x64xi32, #tpu.memory_space<hbm>>
    %dma_wait3A_34 = tpu.memref_squeeze %dma_wait3A_33 : memref<1x5x64xi32, #tpu.memory_space<hbm>> -> memref<5x64xi32, #tpu.memory_space<hbm>>
    tpu.wait_dma2 semaphore(%arg14 : memref<!tpu.dma_semaphore, #tpu.memory_space<semaphore_mem>>) src(%dma_wait3A_34 : memref<5x64xi32, #tpu.memory_space<hbm>>) dst(%arg8 : memref<5x64xi32, #tpu.memory_space<vmem>>)
    %barrier3A = arith.constant 0 : index
    tpu.barrier barrier_id(%barrier3A)
    %dma_start3A_35 = arith.constant 0 : i32
    %dma_start3A_36 = arith.constant 0 : i32
    %dma_start3A_37 = arith.constant 0 : i32
    %dma_start3A_38 = tpu.memref_slice %arg7[%dma_start3A_36, %dma_start3A_37] : memref<320x128xf32, #tpu.memory_space<vmem>> -> memref<64x128xf32, #tpu.memory_space<vmem>>
    %dma_start3A_39 = arith.constant 0 : i32
    %dma_start3A_40 = tpu.memref_slice %arg8[%dma_start3A_35, %dma_start3A_39] : memref<5x64xi32, #tpu.memory_space<vmem>> -> memref<1x64xi32, #tpu.memory_space<vmem>>
    %dma_start3A_41 = tpu.memref_squeeze %dma_start3A_40 : memref<1x64xi32, #tpu.memory_space<vmem>> -> memref<64xi32, #tpu.memory_space<vmem>>
    %dma_start3A_42 = arith.constant 0 : i32
    %dma_start3A_43 = arith.constant 0 : i32
    %dma_start3A_44 = tpu.memref_slice %arg12[%dma_start3A_42, %dma_start3A_43] : memref<272x128xf32, #tpu.memory_space<vmem_shared>> -> memref<272x128xf32, #tpu.memory_space<vmem_shared>>
    tpu.enqueue_indirect_dma source(%dma_start3A_38 : memref<64x128xf32, #tpu.memory_space<vmem>>) target(%dma_start3A_44 : memref<272x128xf32, #tpu.memory_space<vmem_shared>>) offsets(%dma_start3A_41 : memref<64xi32, #tpu.memory_space<vmem>>) semaphore(%arg13 : memref<!tpu.dma_semaphore, #tpu.memory_space<semaphore_mem>>) {add = true}
    %dma_start3A_45 = arith.constant 1 : i32
    %dma_start3A_46 = arith.constant 64 : i32
    %dma_start3A_47 = arith.constant 0 : i32
    %dma_start3A_48 = tpu.memref_slice %arg7[%dma_start3A_46, %dma_start3A_47] : memref<320x128xf32, #tpu.memory_space<vmem>> -> memref<64x128xf32, #tpu.memory_space<vmem>>
    %dma_start3A_49 = arith.constant 0 : i32
    %dma_start3A_50 = tpu.memref_slice %arg8[%dma_start3A_45, %dma_start3A_49] : memref<5x64xi32, #tpu.memory_space<vmem>> -> memref<1x64xi32, #tpu.memory_space<vmem>>
    %dma_start3A_51 = tpu.memref_squeeze %dma_start3A_50 : memref<1x64xi32, #tpu.memory_space<vmem>> -> memref<64xi32, #tpu.memory_space<vmem>>
    %dma_start3A_52 = arith.constant 0 : i32
    %dma_start3A_53 = arith.constant 0 : i32
    %dma_start3A_54 = tpu.memref_slice %arg12[%dma_start3A_52, %dma_start3A_53] : memref<272x128xf32, #tpu.memory_space<vmem_shared>> -> memref<272x128xf32, #tpu.memory_space<vmem_shared>>
    tpu.enqueue_indirect_dma source(%dma_start3A_48 : memref<64x128xf32, #tpu.memory_space<vmem>>) target(%dma_start3A_54 : memref<272x128xf32, #tpu.memory_space<vmem_shared>>) offsets(%dma_start3A_51 : memref<64xi32, #tpu.memory_space<vmem>>) semaphore(%arg13 : memref<!tpu.dma_semaphore, #tpu.memory_space<semaphore_mem>>) {add = true}
    %dma_start3A_55 = arith.constant 2 : i32
    %dma_start3A_56 = arith.constant 128 : i32
    %dma_start3A_57 = arith.constant 0 : i32
    %dma_start3A_58 = tpu.memref_slice %arg7[%dma_start3A_56, %dma_start3A_57] : memref<320x128xf32, #tpu.memory_space<vmem>> -> memref<64x128xf32, #tpu.memory_space<vmem>>
    %dma_start3A_59 = arith.constant 0 : i32
    %dma_start3A_60 = tpu.memref_slice %arg8[%dma_start3A_55, %dma_start3A_59] : memref<5x64xi32, #tpu.memory_space<vmem>> -> memref<1x64xi32, #tpu.memory_space<vmem>>
    %dma_start3A_61 = tpu.memref_squeeze %dma_start3A_60 : memref<1x64xi32, #tpu.memory_space<vmem>> -> memref<64xi32, #tpu.memory_space<vmem>>
    %dma_start3A_62 = arith.constant 0 : i32
    %dma_start3A_63 = arith.constant 0 : i32
    %dma_start3A_64 = tpu.memref_slice %arg12[%dma_start3A_62, %dma_start3A_63] : memref<272x128xf32, #tpu.memory_space<vmem_shared>> -> memref<272x128xf32, #tpu.memory_space<vmem_shared>>
    tpu.enqueue_indirect_dma source(%dma_start3A_58 : memref<64x128xf32, #tpu.memory_space<vmem>>) target(%dma_start3A_64 : memref<272x128xf32, #tpu.memory_space<vmem_shared>>) offsets(%dma_start3A_61 : memref<64xi32, #tpu.memory_space<vmem>>) semaphore(%arg13 : memref<!tpu.dma_semaphore, #tpu.memory_space<semaphore_mem>>) {add = true}
    %dma_start3A_65 = arith.constant 3 : i32
    %dma_start3A_66 = arith.constant 192 : i32
    %dma_start3A_67 = arith.constant 0 : i32
    %dma_start3A_68 = tpu.memref_slice %arg7[%dma_start3A_66, %dma_start3A_67] : memref<320x128xf32, #tpu.memory_space<vmem>> -> memref<64x128xf32, #tpu.memory_space<vmem>>
    %dma_start3A_69 = arith.constant 0 : i32
    %dma_start3A_70 = tpu.memref_slice %arg8[%dma_start3A_65, %dma_start3A_69] : memref<5x64xi32, #tpu.memory_space<vmem>> -> memref<1x64xi32, #tpu.memory_space<vmem>>
    %dma_start3A_71 = tpu.memref_squeeze %dma_start3A_70 : memref<1x64xi32, #tpu.memory_space<vmem>> -> memref<64xi32, #tpu.memory_space<vmem>>
    %dma_start3A_72 = arith.constant 0 : i32
    %dma_start3A_73 = arith.constant 0 : i32
    %dma_start3A_74 = tpu.memref_slice %arg12[%dma_start3A_72, %dma_start3A_73] : memref<272x128xf32, #tpu.memory_space<vmem_shared>> -> memref<272x128xf32, #tpu.memory_space<vmem_shared>>
    tpu.enqueue_indirect_dma source(%dma_start3A_68 : memref<64x128xf32, #tpu.memory_space<vmem>>) target(%dma_start3A_74 : memref<272x128xf32, #tpu.memory_space<vmem_shared>>) offsets(%dma_start3A_71 : memref<64xi32, #tpu.memory_space<vmem>>) semaphore(%arg13 : memref<!tpu.dma_semaphore, #tpu.memory_space<semaphore_mem>>) {add = true}
    %dma_start3A_75 = arith.constant 4 : i32
    %dma_start3A_76 = arith.constant 256 : i32
    %dma_start3A_77 = arith.constant 0 : i32
    %dma_start3A_78 = tpu.memref_slice %arg7[%dma_start3A_76, %dma_start3A_77] : memref<320x128xf32, #tpu.memory_space<vmem>> -> memref<64x128xf32, #tpu.memory_space<vmem>>
    %dma_start3A_79 = arith.constant 0 : i32
    %dma_start3A_80 = tpu.memref_slice %arg8[%dma_start3A_75, %dma_start3A_79] : memref<5x64xi32, #tpu.memory_space<vmem>> -> memref<1x64xi32, #tpu.memory_space<vmem>>
    %dma_start3A_81 = tpu.memref_squeeze %dma_start3A_80 : memref<1x64xi32, #tpu.memory_space<vmem>> -> memref<64xi32, #tpu.memory_space<vmem>>
    %dma_start3A_82 = arith.constant 0 : i32
    %dma_start3A_83 = arith.constant 0 : i32
    %dma_start3A_84 = tpu.memref_slice %arg12[%dma_start3A_82, %dma_start3A_83] : memref<272x128xf32, #tpu.memory_space<vmem_shared>> -> memref<272x128xf32, #tpu.memory_space<vmem_shared>>
    tpu.enqueue_indirect_dma source(%dma_start3A_78 : memref<64x128xf32, #tpu.memory_space<vmem>>) target(%dma_start3A_84 : memref<272x128xf32, #tpu.memory_space<vmem_shared>>) offsets(%dma_start3A_81 : memref<64xi32, #tpu.memory_space<vmem>>) semaphore(%arg13 : memref<!tpu.dma_semaphore, #tpu.memory_space<semaphore_mem>>) {add = true}
    %mul3A_85 = arith.constant 8 : i32
    %mul3A_86 = arith.muli %add3A, %mul3A_85 : i32
    "tpu.region"() ({
      %run_scoped3A = tpu.sem_alloc : memref<!tpu.dma_semaphore, #tpu.memory_space<semaphore_mem>>
      %dma_start3A_150 = tpu.memref_slice %arg4[%mul3A_86] : memref<256xi32, #tpu.memory_space<hbm>> -> memref<8xi32, #tpu.memory_space<hbm>>
      %dma_start3A_151 = tpu.memref_slice %arg4[%mul3A_86] : memref<256xi32, #tpu.memory_space<hbm>> -> memref<8xi32, #tpu.memory_space<hbm>>
      tpu.enqueue_dma source(%dma_start3A_151 : memref<8xi32, #tpu.memory_space<hbm>>) target(%arg9 : memref<8xi32, #tpu.memory_space<vmem>>) target_semaphore(%run_scoped3A : memref<!tpu.dma_semaphore, #tpu.memory_space<semaphore_mem>>)
      %dma_wait3A_152 = tpu.memref_slice %arg4[%mul3A_86] : memref<256xi32, #tpu.memory_space<hbm>> -> memref<8xi32, #tpu.memory_space<hbm>>
      %dma_wait3A_153 = tpu.memref_slice %arg4[%mul3A_86] : memref<256xi32, #tpu.memory_space<hbm>> -> memref<8xi32, #tpu.memory_space<hbm>>
      tpu.wait_dma2 semaphore(%run_scoped3A : memref<!tpu.dma_semaphore, #tpu.memory_space<semaphore_mem>>) src(%dma_wait3A_153 : memref<8xi32, #tpu.memory_space<hbm>>) dst(%arg9 : memref<8xi32, #tpu.memory_space<vmem>>)
      tpu.yield
    }) : () -> ()
    %dma_start3A_87 = arith.constant 0 : i32
    %dma_start3A_88 = arith.constant 0 : i32
    %dma_start3A_89 = tpu.memref_slice %arg2[%dma_start3A_87, %dma_start3A_88] : memref<10240x128xf32, #tpu.memory_space<hbm>> -> memref<10240x128xf32, #tpu.memory_space<hbm>>
    tpu.enqueue_indirect_dma source(%dma_start3A_89 : memref<10240x128xf32, #tpu.memory_space<hbm>>) target(%arg10 : memref<8x128xf32, #tpu.memory_space<vmem>>) offsets(%arg9 : memref<8xi32, #tpu.memory_space<vmem>>) semaphore(%arg14 : memref<!tpu.dma_semaphore, #tpu.memory_space<semaphore_mem>>)
    %dma_wait3A_90 = arith.constant 0 : i32
    %dma_wait3A_91 = arith.constant 0 : i32
    %dma_wait3A_92 = tpu.memref_slice %arg2[%dma_wait3A_90, %dma_wait3A_91] : memref<10240x128xf32, #tpu.memory_space<hbm>> -> memref<10240x128xf32, #tpu.memory_space<hbm>>
    tpu.wait_indirect_dma semaphore(%arg14 : memref<!tpu.dma_semaphore, #tpu.memory_space<semaphore_mem>>) src(%dma_wait3A_92 : memref<10240x128xf32, #tpu.memory_space<hbm>>) dst(%arg10 : memref<8x128xf32, #tpu.memory_space<vmem>>)
    %mul3A_93 = arith.constant 8 : i32
    %mul3A_94 = arith.muli %add3A, %mul3A_93 : i32
    "tpu.region"() ({
      %run_scoped3A = tpu.sem_alloc : memref<!tpu.dma_semaphore, #tpu.memory_space<semaphore_mem>>
      %dma_start3A_150 = arith.constant 0 : i32
      %dma_start3A_151 = tpu.memref_slice %arg6[%mul3A_94, %dma_start3A_150] : memref<256x128xf32, #tpu.memory_space<hbm>> -> memref<8x128xf32, #tpu.memory_space<hbm>>
      %dma_start3A_152 = arith.constant 0 : i32
      %dma_start3A_153 = tpu.memref_slice %arg6[%mul3A_94, %dma_start3A_152] : memref<256x128xf32, #tpu.memory_space<hbm>> -> memref<8x128xf32, #tpu.memory_space<hbm>>
      tpu.enqueue_dma source(%arg10 : memref<8x128xf32, #tpu.memory_space<vmem>>) target(%dma_start3A_153 : memref<8x128xf32, #tpu.memory_space<hbm>>) target_semaphore(%run_scoped3A : memref<!tpu.dma_semaphore, #tpu.memory_space<semaphore_mem>>)
      %dma_wait3A_154 = arith.constant 0 : i32
      %dma_wait3A_155 = tpu.memref_slice %arg6[%mul3A_94, %dma_wait3A_154] : memref<256x128xf32, #tpu.memory_space<hbm>> -> memref<8x128xf32, #tpu.memory_space<hbm>>
      %dma_wait3A_156 = arith.constant 0 : i32
      %dma_wait3A_157 = tpu.memref_slice %arg6[%mul3A_94, %dma_wait3A_156] : memref<256x128xf32, #tpu.memory_space<hbm>> -> memref<8x128xf32, #tpu.memory_space<hbm>>
      tpu.wait_dma2 semaphore(%run_scoped3A : memref<!tpu.dma_semaphore, #tpu.memory_space<semaphore_mem>>) src(%arg10 : memref<8x128xf32, #tpu.memory_space<vmem>>) dst(%dma_wait3A_157 : memref<8x128xf32, #tpu.memory_space<hbm>>)
      tpu.yield
    }) : () -> ()
    %dma_wait3A_95 = arith.constant 0 : i32
    %dma_wait3A_96 = arith.constant 0 : i32
    %dma_wait3A_97 = arith.constant 0 : i32
    %dma_wait3A_98 = tpu.memref_slice %arg7[%dma_wait3A_96, %dma_wait3A_97] : memref<320x128xf32, #tpu.memory_space<vmem>> -> memref<64x128xf32, #tpu.memory_space<vmem>>
    %dma_wait3A_99 = arith.constant 0 : i32
    %dma_wait3A_100 = tpu.memref_slice %arg8[%dma_wait3A_95, %dma_wait3A_99] : memref<5x64xi32, #tpu.memory_space<vmem>> -> memref<1x64xi32, #tpu.memory_space<vmem>>
    %dma_wait3A_101 = tpu.memref_squeeze %dma_wait3A_100 : memref<1x64xi32, #tpu.memory_space<vmem>> -> memref<64xi32, #tpu.memory_space<vmem>>
    %dma_wait3A_102 = arith.constant 0 : i32
    %dma_wait3A_103 = arith.constant 0 : i32
    %dma_wait3A_104 = tpu.memref_slice %arg12[%dma_wait3A_102, %dma_wait3A_103] : memref<272x128xf32, #tpu.memory_space<vmem_shared>> -> memref<272x128xf32, #tpu.memory_space<vmem_shared>>
    tpu.wait_indirect_dma semaphore(%arg13 : memref<!tpu.dma_semaphore, #tpu.memory_space<semaphore_mem>>) src(%dma_wait3A_98 : memref<64x128xf32, #tpu.memory_space<vmem>>) dst(%dma_wait3A_104 : memref<272x128xf32, #tpu.memory_space<vmem_shared>>)
    %dma_wait3A_105 = arith.constant 1 : i32
    %dma_wait3A_106 = arith.constant 64 : i32
    %dma_wait3A_107 = arith.constant 0 : i32
    %dma_wait3A_108 = tpu.memref_slice %arg7[%dma_wait3A_106, %dma_wait3A_107] : memref<320x128xf32, #tpu.memory_space<vmem>> -> memref<64x128xf32, #tpu.memory_space<vmem>>
    %dma_wait3A_109 = arith.constant 0 : i32
    %dma_wait3A_110 = tpu.memref_slice %arg8[%dma_wait3A_105, %dma_wait3A_109] : memref<5x64xi32, #tpu.memory_space<vmem>> -> memref<1x64xi32, #tpu.memory_space<vmem>>
    %dma_wait3A_111 = tpu.memref_squeeze %dma_wait3A_110 : memref<1x64xi32, #tpu.memory_space<vmem>> -> memref<64xi32, #tpu.memory_space<vmem>>
    %dma_wait3A_112 = arith.constant 0 : i32
    %dma_wait3A_113 = arith.constant 0 : i32
    %dma_wait3A_114 = tpu.memref_slice %arg12[%dma_wait3A_112, %dma_wait3A_113] : memref<272x128xf32, #tpu.memory_space<vmem_shared>> -> memref<272x128xf32, #tpu.memory_space<vmem_shared>>
    tpu.wait_indirect_dma semaphore(%arg13 : memref<!tpu.dma_semaphore, #tpu.memory_space<semaphore_mem>>) src(%dma_wait3A_108 : memref<64x128xf32, #tpu.memory_space<vmem>>) dst(%dma_wait3A_114 : memref<272x128xf32, #tpu.memory_space<vmem_shared>>)
    %dma_wait3A_115 = arith.constant 2 : i32
    %dma_wait3A_116 = arith.constant 128 : i32
    %dma_wait3A_117 = arith.constant 0 : i32
    %dma_wait3A_118 = tpu.memref_slice %arg7[%dma_wait3A_116, %dma_wait3A_117] : memref<320x128xf32, #tpu.memory_space<vmem>> -> memref<64x128xf32, #tpu.memory_space<vmem>>
    %dma_wait3A_119 = arith.constant 0 : i32
    %dma_wait3A_120 = tpu.memref_slice %arg8[%dma_wait3A_115, %dma_wait3A_119] : memref<5x64xi32, #tpu.memory_space<vmem>> -> memref<1x64xi32, #tpu.memory_space<vmem>>
    %dma_wait3A_121 = tpu.memref_squeeze %dma_wait3A_120 : memref<1x64xi32, #tpu.memory_space<vmem>> -> memref<64xi32, #tpu.memory_space<vmem>>
    %dma_wait3A_122 = arith.constant 0 : i32
    %dma_wait3A_123 = arith.constant 0 : i32
    %dma_wait3A_124 = tpu.memref_slice %arg12[%dma_wait3A_122, %dma_wait3A_123] : memref<272x128xf32, #tpu.memory_space<vmem_shared>> -> memref<272x128xf32, #tpu.memory_space<vmem_shared>>
    tpu.wait_indirect_dma semaphore(%arg13 : memref<!tpu.dma_semaphore, #tpu.memory_space<semaphore_mem>>) src(%dma_wait3A_118 : memref<64x128xf32, #tpu.memory_space<vmem>>) dst(%dma_wait3A_124 : memref<272x128xf32, #tpu.memory_space<vmem_shared>>)
    %dma_wait3A_125 = arith.constant 3 : i32
    %dma_wait3A_126 = arith.constant 192 : i32
    %dma_wait3A_127 = arith.constant 0 : i32
    %dma_wait3A_128 = tpu.memref_slice %arg7[%dma_wait3A_126, %dma_wait3A_127] : memref<320x128xf32, #tpu.memory_space<vmem>> -> memref<64x128xf32, #tpu.memory_space<vmem>>
    %dma_wait3A_129 = arith.constant 0 : i32
    %dma_wait3A_130 = tpu.memref_slice %arg8[%dma_wait3A_125, %dma_wait3A_129] : memref<5x64xi32, #tpu.memory_space<vmem>> -> memref<1x64xi32, #tpu.memory_space<vmem>>
    %dma_wait3A_131 = tpu.memref_squeeze %dma_wait3A_130 : memref<1x64xi32, #tpu.memory_space<vmem>> -> memref<64xi32, #tpu.memory_space<vmem>>
    %dma_wait3A_132 = arith.constant 0 : i32
    %dma_wait3A_133 = arith.constant 0 : i32
    %dma_wait3A_134 = tpu.memref_slice %arg12[%dma_wait3A_132, %dma_wait3A_133] : memref<272x128xf32, #tpu.memory_space<vmem_shared>> -> memref<272x128xf32, #tpu.memory_space<vmem_shared>>
    tpu.wait_indirect_dma semaphore(%arg13 : memref<!tpu.dma_semaphore, #tpu.memory_space<semaphore_mem>>) src(%dma_wait3A_128 : memref<64x128xf32, #tpu.memory_space<vmem>>) dst(%dma_wait3A_134 : memref<272x128xf32, #tpu.memory_space<vmem_shared>>)
    %dma_wait3A_135 = arith.constant 4 : i32
    %dma_wait3A_136 = arith.constant 256 : i32
    %dma_wait3A_137 = arith.constant 0 : i32
    %dma_wait3A_138 = tpu.memref_slice %arg7[%dma_wait3A_136, %dma_wait3A_137] : memref<320x128xf32, #tpu.memory_space<vmem>> -> memref<64x128xf32, #tpu.memory_space<vmem>>
    %dma_wait3A_139 = arith.constant 0 : i32
    %dma_wait3A_140 = tpu.memref_slice %arg8[%dma_wait3A_135, %dma_wait3A_139] : memref<5x64xi32, #tpu.memory_space<vmem>> -> memref<1x64xi32, #tpu.memory_space<vmem>>
    %dma_wait3A_141 = tpu.memref_squeeze %dma_wait3A_140 : memref<1x64xi32, #tpu.memory_space<vmem>> -> memref<64xi32, #tpu.memory_space<vmem>>
    %dma_wait3A_142 = arith.constant 0 : i32
    %dma_wait3A_143 = arith.constant 0 : i32
    %dma_wait3A_144 = tpu.memref_slice %arg12[%dma_wait3A_142, %dma_wait3A_143] : memref<272x128xf32, #tpu.memory_space<vmem_shared>> -> memref<272x128xf32, #tpu.memory_space<vmem_shared>>
    tpu.wait_indirect_dma semaphore(%arg13 : memref<!tpu.dma_semaphore, #tpu.memory_space<semaphore_mem>>) src(%dma_wait3A_138 : memref<64x128xf32, #tpu.memory_space<vmem>>) dst(%dma_wait3A_144 : memref<272x128xf32, #tpu.memory_space<vmem_shared>>)
    %barrier3A_145 = arith.constant 0 : index
    tpu.barrier barrier_id(%barrier3A_145)
    %mul3A_146 = arith.constant 16 : i32
    %mul3A_147 = arith.muli %mul3A_146, %arg1 : i32
    %mul3A_148 = arith.constant 16 : i32
    %mul3A_149 = arith.muli %mul3A_148, %arg1 : i32
    "tpu.region"() ({
      %run_scoped3A = tpu.sem_alloc : memref<!tpu.dma_semaphore, #tpu.memory_space<semaphore_mem>>
      %dma_start3A_150 = arith.constant 0 : i32
      %dma_start3A_151 = tpu.memref_slice %arg5[%arg0, %mul3A_149, %dma_start3A_150] : memref<2x256x128xf32, #tpu.memory_space<hbm>> -> memref<1x16x128xf32, #tpu.memory_space<hbm>>
      %dma_start3A_152 = tpu.memref_squeeze %dma_start3A_151 : memref<1x16x128xf32, #tpu.memory_space<hbm>> -> memref<16x128xf32, #tpu.memory_space<hbm>>
      %dma_start3A_153 = arith.constant 0 : i32
      %dma_start3A_154 = tpu.memref_slice %arg12[%mul3A_147, %dma_start3A_153] : memref<272x128xf32, #tpu.memory_space<vmem_shared>> -> memref<16x128xf32, #tpu.memory_space<vmem_shared>>
      tpu.enqueue_dma source(%dma_start3A_154 : memref<16x128xf32, #tpu.memory_space<vmem_shared>>) target(%dma_start3A_152 : memref<16x128xf32, #tpu.memory_space<hbm>>) target_semaphore(%run_scoped3A : memref<!tpu.dma_semaphore, #tpu.memory_space<semaphore_mem>>)
      %dma_wait3A_155 = arith.constant 0 : i32
      %dma_wait3A_156 = tpu.memref_slice %arg5[%arg0, %mul3A_149, %dma_wait3A_155] : memref<2x256x128xf32, #tpu.memory_space<hbm>> -> memref<1x16x128xf32, #tpu.memory_space<hbm>>
      %dma_wait3A_157 = tpu.memref_squeeze %dma_wait3A_156 : memref<1x16x128xf32, #tpu.memory_space<hbm>> -> memref<16x128xf32, #tpu.memory_space<hbm>>
      %dma_wait3A_158 = arith.constant 0 : i32
      %dma_wait3A_159 = tpu.memref_slice %arg12[%mul3A_147, %dma_wait3A_158] : memref<272x128xf32, #tpu.memory_space<vmem_shared>> -> memref<16x128xf32, #tpu.memory_space<vmem_shared>>
      tpu.wait_dma2 semaphore(%run_scoped3A : memref<!tpu.dma_semaphore, #tpu.memory_space<semaphore_mem>>) src(%dma_wait3A_159 : memref<16x128xf32, #tpu.memory_space<vmem_shared>>) dst(%dma_wait3A_157 : memref<16x128xf32, #tpu.memory_space<hbm>>)
      tpu.yield
    }) : () -> ()
    return
  }
}

module attributes {stable_mosaic.version = 14 : i64} {
  func.func @_encode_scan_kernel(%arg0: memref<10000x128xf32, #tpu.memory_space<vmem>>, %arg1: memref<128x128xf32, #tpu.memory_space<vmem>>, %arg2: memref<1x128xf32, #tpu.memory_space<vmem>>, %arg3: memref<128x128xf32, #tpu.memory_space<vmem>>, %arg4: memref<1x128xf32, #tpu.memory_space<vmem>>, %arg5: memref<128x128xf32, #tpu.memory_space<vmem>>, %arg6: memref<1x128xf32, #tpu.memory_space<vmem>>, %arg7: memref<10000x1xi32, #tpu.memory_space<vmem>>, %arg8: memref<1x10000xi32, #tpu.memory_space<vmem>>, %arg9: memref<1x10000xi32, #tpu.memory_space<vmem>>, %arg10: memref<10240x128xf32, #tpu.memory_space<vmem>>, %arg11: memref<256x128xf32, #tpu.memory_space<vmem>>, %arg12: memref<256x1xf32, #tpu.memory_space<vmem>>) attributes {dimension_semantics = [], scalar_prefetch = 0 : i64, scratch_operands = 0 : i64, tpu.core_type = #tpu.core_type<tc>} {
    %get3A = arith.constant 0 : index
    %get3A_0 = arith.constant 0 : index
    %get3A_1 = vector.load %arg0[%get3A, %get3A_0] : memref<10000x128xf32, #tpu.memory_space<vmem>>, vector<10000x128xf32>
    %get3A_2 = arith.constant 0 : index
    %get3A_3 = arith.constant 0 : index
    %get3A_4 = vector.load %arg1[%get3A_2, %get3A_3] : memref<128x128xf32, #tpu.memory_space<vmem>>, vector<128x128xf32>
    %dot_general3A = arith.constant dense<0.000000e+00> : vector<10000x128xf32>
    %dot_general3A_5 = tpu.matmul %get3A_1, %get3A_4, %dot_general3A {dimension_numbers = #tpu.dot_dimension_numbers<[1], [0], [0], [1], [0, 0, 1, 1], [], []>, transpose_lhs_hint = false} : vector<10000x128xf32>, vector<128x128xf32>, vector<10000x128xf32> -> vector<10000x128xf32>
    %get3A_6 = arith.constant 0 : index
    %get3A_7 = arith.constant 0 : index
    %get3A_8 = vector.load %arg2[%get3A_6, %get3A_7] : memref<1x128xf32, #tpu.memory_space<vmem>>, vector<1x128xf32>
    %add3A = vector.broadcast %get3A_8 : vector<1x128xf32> to vector<10000x128xf32>
    %add3A_9 = arith.addf %dot_general3A_5, %add3A : vector<10000x128xf32>
    %gt3A = arith.constant 0.000000e+00 : f32
    %gt3A_10 = vector.broadcast %gt3A : f32 to vector<10000x128xf32>
    %gt3A_11 = arith.cmpf ogt, %add3A_9, %gt3A_10 : vector<10000x128xf32>
    %exp3A = math.exp %add3A_9 : vector<10000x128xf32>
    %sub3A = arith.constant 1.000000e+00 : f32
    %sub3A_12 = vector.broadcast %sub3A : f32 to vector<10000x128xf32>
    %sub3A_13 = arith.subf %exp3A, %sub3A_12 : vector<10000x128xf32>
    %select_n3A = arith.select %gt3A_11, %add3A_9, %sub3A_13 : vector<10000x128xi1>, vector<10000x128xf32>
    %get3A_14 = arith.constant 0 : index
    %get3A_15 = arith.constant 0 : index
    %get3A_16 = vector.load %arg3[%get3A_14, %get3A_15] : memref<128x128xf32, #tpu.memory_space<vmem>>, vector<128x128xf32>
    %dot_general3A_17 = arith.constant dense<0.000000e+00> : vector<10000x128xf32>
    %dot_general3A_18 = tpu.matmul %select_n3A, %get3A_16, %dot_general3A_17 {dimension_numbers = #tpu.dot_dimension_numbers<[1], [0], [0], [1], [0, 0, 1, 1], [], []>, transpose_lhs_hint = false} : vector<10000x128xf32>, vector<128x128xf32>, vector<10000x128xf32> -> vector<10000x128xf32>
    %get3A_19 = arith.constant 0 : index
    %get3A_20 = arith.constant 0 : index
    %get3A_21 = vector.load %arg4[%get3A_19, %get3A_20] : memref<1x128xf32, #tpu.memory_space<vmem>>, vector<1x128xf32>
    %add3A_22 = vector.broadcast %get3A_21 : vector<1x128xf32> to vector<10000x128xf32>
    %add3A_23 = arith.addf %dot_general3A_18, %add3A_22 : vector<10000x128xf32>
    %gt3A_24 = arith.constant 0.000000e+00 : f32
    %gt3A_25 = vector.broadcast %gt3A_24 : f32 to vector<10000x128xf32>
    %gt3A_26 = arith.cmpf ogt, %add3A_23, %gt3A_25 : vector<10000x128xf32>
    %exp3A_27 = math.exp %add3A_23 : vector<10000x128xf32>
    %sub3A_28 = arith.constant 1.000000e+00 : f32
    %sub3A_29 = vector.broadcast %sub3A_28 : f32 to vector<10000x128xf32>
    %sub3A_30 = arith.subf %exp3A_27, %sub3A_29 : vector<10000x128xf32>
    %select_n3A_31 = arith.select %gt3A_26, %add3A_23, %sub3A_30 : vector<10000x128xi1>, vector<10000x128xf32>
    %get3A_32 = arith.constant 0 : index
    %get3A_33 = arith.constant 0 : index
    %get3A_34 = vector.load %arg5[%get3A_32, %get3A_33] : memref<128x128xf32, #tpu.memory_space<vmem>>, vector<128x128xf32>
    %dot_general3A_35 = arith.constant dense<0.000000e+00> : vector<10000x128xf32>
    %dot_general3A_36 = tpu.matmul %select_n3A_31, %get3A_34, %dot_general3A_35 {dimension_numbers = #tpu.dot_dimension_numbers<[1], [0], [0], [1], [0, 0, 1, 1], [], []>, transpose_lhs_hint = false} : vector<10000x128xf32>, vector<128x128xf32>, vector<10000x128xf32> -> vector<10000x128xf32>
    %get3A_37 = arith.constant 0 : index
    %get3A_38 = arith.constant 0 : index
    %get3A_39 = vector.load %arg6[%get3A_37, %get3A_38] : memref<1x128xf32, #tpu.memory_space<vmem>>, vector<1x128xf32>
    %add3A_40 = vector.broadcast %get3A_39 : vector<1x128xf32> to vector<10000x128xf32>
    %add3A_41 = arith.addf %dot_general3A_36, %add3A_40 : vector<10000x128xf32>
    %gt3A_42 = arith.constant 0.000000e+00 : f32
    %gt3A_43 = vector.broadcast %gt3A_42 : f32 to vector<10000x128xf32>
    %gt3A_44 = arith.cmpf ogt, %add3A_41, %gt3A_43 : vector<10000x128xf32>
    %exp3A_45 = math.exp %add3A_41 : vector<10000x128xf32>
    %sub3A_46 = arith.constant 1.000000e+00 : f32
    %sub3A_47 = vector.broadcast %sub3A_46 : f32 to vector<10000x128xf32>
    %sub3A_48 = arith.subf %exp3A_45, %sub3A_47 : vector<10000x128xf32>
    %select_n3A_49 = arith.select %gt3A_44, %add3A_41, %sub3A_48 : vector<10000x128xi1>, vector<10000x128xf32>
    %swap3A = arith.constant 0 : index
    %swap3A_50 = arith.constant 0 : index
    %swap3A_51 = vector.load %arg10[%swap3A, %swap3A_50] : memref<10240x128xf32, #tpu.memory_space<vmem>>, vector<10000x128xf32>
    tpu.vector_store %arg10[%swap3A, %swap3A_50], %select_n3A_49 {strides = array<i32>} : memref<10240x128xf32, #tpu.memory_space<vmem>>, vector<10000x128xf32>,
    %broadcast_in_dim3A = arith.constant 0.000000e+00 : f32
    %broadcast_in_dim3A_52 = vector.broadcast %broadcast_in_dim3A : f32 to vector<240x128xf32>
    %swap3A_53 = arith.constant 10000 : index
    %swap3A_54 = arith.constant 0 : index
    %swap3A_55 = vector.load %arg10[%swap3A_53, %swap3A_54] : memref<10240x128xf32, #tpu.memory_space<vmem>>, vector<240x128xf32>
    tpu.vector_store %arg10[%swap3A_53, %swap3A_54], %broadcast_in_dim3A_52 {strides = array<i32>} : memref<10240x128xf32, #tpu.memory_space<vmem>>, vector<240x128xf32>,
    %get3A_56 = arith.constant 0 : index
    %get3A_57 = arith.constant 0 : index
    %get3A_58 = vector.load %arg7[%get3A_56, %get3A_57] : memref<10000x1xi32, #tpu.memory_space<vmem>>, vector<10000x1xi32>
    %broadcast_in_dim3A_59 = arith.constant 0xFF800000 : f32
    %broadcast_in_dim3A_60 = vector.broadcast %broadcast_in_dim3A_59 : f32 to vector<1x128xf32>
    %slice3A = vector.extract_strided_slice %select_n3A_49 {offsets = [0, 0], sizes = [9999, 128], strides = [1, 1]} : vector<10000x128xf32> to vector<9999x128xf32>
    %concatenate3A = tpu.concatenate %broadcast_in_dim3A_60, %slice3A in 0 : vector<1x128xf32>, vector<9999x128xf32> -> vector<10000x128xf32>
    %broadcast_in_dim3A_61 = arith.constant -1 : i32
    %broadcast_in_dim3A_62 = vector.broadcast %broadcast_in_dim3A_61 : i32 to vector<1x1xi32>
    %slice3A_63 = vector.extract_strided_slice %get3A_58 {offsets = [0, 0], sizes = [9999, 1], strides = [1, 1]} : vector<10000x1xi32> to vector<9999x1xi32>
    %concatenate3A_64 = tpu.concatenate %broadcast_in_dim3A_62, %slice3A_63 in 0 : vector<1x1xi32>, vector<9999x1xi32> -> vector<10000x1xi32>
    %eq3A = arith.cmpi eq, %get3A_58, %concatenate3A_64 : vector<10000x1xi32>
    %jit3A = arith.constant 0.000000e+00 : f32
    %jit3A_65 = arith.constant 0xFF800000 : f32
    %broadcast_in_dim3A_66 = vector.broadcast %jit3A : f32 to vector<10000x1xf32>
    %broadcast_in_dim3A_67 = vector.broadcast %jit3A_65 : f32 to vector<10000x1xf32>
    %select_n3A_68 = arith.select %eq3A, %broadcast_in_dim3A_66, %broadcast_in_dim3A_67 : vector<10000x1xi1>, vector<10000x1xf32>
    %add3A_69 = vector.broadcast %select_n3A_68 : vector<10000x1xf32> to vector<10000x128xf32>
    %add3A_70 = arith.addf %concatenate3A, %add3A_69 : vector<10000x128xf32>
    %max3A = arith.maximumf %select_n3A_49, %add3A_70 : vector<10000x128xf32>
    %broadcast_in_dim3A_71 = arith.constant 0xFF800000 : f32
    %broadcast_in_dim3A_72 = vector.broadcast %broadcast_in_dim3A_71 : f32 to vector<2x128xf32>
    %slice3A_73 = vector.extract_strided_slice %max3A {offsets = [0, 0], sizes = [9998, 128], strides = [1, 1]} : vector<10000x128xf32> to vector<9998x128xf32>
    %concatenate3A_74 = tpu.concatenate %broadcast_in_dim3A_72, %slice3A_73 in 0 : vector<2x128xf32>, vector<9998x128xf32> -> vector<10000x128xf32>
    %broadcast_in_dim3A_75 = arith.constant -1 : i32
    %broadcast_in_dim3A_76 = vector.broadcast %broadcast_in_dim3A_75 : i32 to vector<2x1xi32>
    %slice3A_77 = vector.extract_strided_slice %get3A_58 {offsets = [0, 0], sizes = [9998, 1], strides = [1, 1]} : vector<10000x1xi32> to vector<9998x1xi32>
    %concatenate3A_78 = tpu.concatenate %broadcast_in_dim3A_76, %slice3A_77 in 0 : vector<2x1xi32>, vector<9998x1xi32> -> vector<10000x1xi32>
    %eq3A_79 = arith.cmpi eq, %get3A_58, %concatenate3A_78 : vector<10000x1xi32>
    %jit3A_80 = arith.constant 0.000000e+00 : f32
    %jit3A_81 = arith.constant 0xFF800000 : f32
    %broadcast_in_dim3A_82 = vector.broadcast %jit3A_80 : f32 to vector<10000x1xf32>
    %broadcast_in_dim3A_83 = vector.broadcast %jit3A_81 : f32 to vector<10000x1xf32>
    %select_n3A_84 = arith.select %eq3A_79, %broadcast_in_dim3A_82, %broadcast_in_dim3A_83 : vector<10000x1xi1>, vector<10000x1xf32>
    %add3A_85 = vector.broadcast %select_n3A_84 : vector<10000x1xf32> to vector<10000x128xf32>
    %add3A_86 = arith.addf %concatenate3A_74, %add3A_85 : vector<10000x128xf32>
    %max3A_87 = arith.maximumf %max3A, %add3A_86 : vector<10000x128xf32>
    %broadcast_in_dim3A_88 = arith.constant 0xFF800000 : f32
    %broadcast_in_dim3A_89 = vector.broadcast %broadcast_in_dim3A_88 : f32 to vector<4x128xf32>
    %slice3A_90 = vector.extract_strided_slice %max3A_87 {offsets = [0, 0], sizes = [9996, 128], strides = [1, 1]} : vector<10000x128xf32> to vector<9996x128xf32>
    %concatenate3A_91 = tpu.concatenate %broadcast_in_dim3A_89, %slice3A_90 in 0 : vector<4x128xf32>, vector<9996x128xf32> -> vector<10000x128xf32>
    %broadcast_in_dim3A_92 = arith.constant -1 : i32
    %broadcast_in_dim3A_93 = vector.broadcast %broadcast_in_dim3A_92 : i32 to vector<4x1xi32>
    %slice3A_94 = vector.extract_strided_slice %get3A_58 {offsets = [0, 0], sizes = [9996, 1], strides = [1, 1]} : vector<10000x1xi32> to vector<9996x1xi32>
    %concatenate3A_95 = tpu.concatenate %broadcast_in_dim3A_93, %slice3A_94 in 0 : vector<4x1xi32>, vector<9996x1xi32> -> vector<10000x1xi32>
    %eq3A_96 = arith.cmpi eq, %get3A_58, %concatenate3A_95 : vector<10000x1xi32>
    %jit3A_97 = arith.constant 0.000000e+00 : f32
    %jit3A_98 = arith.constant 0xFF800000 : f32
    %broadcast_in_dim3A_99 = vector.broadcast %jit3A_97 : f32 to vector<10000x1xf32>
    %broadcast_in_dim3A_100 = vector.broadcast %jit3A_98 : f32 to vector<10000x1xf32>
    %select_n3A_101 = arith.select %eq3A_96, %broadcast_in_dim3A_99, %broadcast_in_dim3A_100 : vector<10000x1xi1>, vector<10000x1xf32>
    %add3A_102 = vector.broadcast %select_n3A_101 : vector<10000x1xf32> to vector<10000x128xf32>
    %add3A_103 = arith.addf %concatenate3A_91, %add3A_102 : vector<10000x128xf32>
    %max3A_104 = arith.maximumf %max3A_87, %add3A_103 : vector<10000x128xf32>
    %broadcast_in_dim3A_105 = arith.constant 0xFF800000 : f32
    %broadcast_in_dim3A_106 = vector.broadcast %broadcast_in_dim3A_105 : f32 to vector<8x128xf32>
    %slice3A_107 = vector.extract_strided_slice %max3A_104 {offsets = [0, 0], sizes = [9992, 128], strides = [1, 1]} : vector<10000x128xf32> to vector<9992x128xf32>
    %concatenate3A_108 = tpu.concatenate %broadcast_in_dim3A_106, %slice3A_107 in 0 : vector<8x128xf32>, vector<9992x128xf32> -> vector<10000x128xf32>
    %broadcast_in_dim3A_109 = arith.constant -1 : i32
    %broadcast_in_dim3A_110 = vector.broadcast %broadcast_in_dim3A_109 : i32 to vector<8x1xi32>
    %slice3A_111 = vector.extract_strided_slice %get3A_58 {offsets = [0, 0], sizes = [9992, 1], strides = [1, 1]} : vector<10000x1xi32> to vector<9992x1xi32>
    %concatenate3A_112 = tpu.concatenate %broadcast_in_dim3A_110, %slice3A_111 in 0 : vector<8x1xi32>, vector<9992x1xi32> -> vector<10000x1xi32>
    %eq3A_113 = arith.cmpi eq, %get3A_58, %concatenate3A_112 : vector<10000x1xi32>
    %jit3A_114 = arith.constant 0.000000e+00 : f32
    %jit3A_115 = arith.constant 0xFF800000 : f32
    %broadcast_in_dim3A_116 = vector.broadcast %jit3A_114 : f32 to vector<10000x1xf32>
    %broadcast_in_dim3A_117 = vector.broadcast %jit3A_115 : f32 to vector<10000x1xf32>
    %select_n3A_118 = arith.select %eq3A_113, %broadcast_in_dim3A_116, %broadcast_in_dim3A_117 : vector<10000x1xi1>, vector<10000x1xf32>
    %add3A_119 = vector.broadcast %select_n3A_118 : vector<10000x1xf32> to vector<10000x128xf32>
    %add3A_120 = arith.addf %concatenate3A_108, %add3A_119 : vector<10000x128xf32>
    %max3A_121 = arith.maximumf %max3A_104, %add3A_120 : vector<10000x128xf32>
    %broadcast_in_dim3A_122 = arith.constant 0xFF800000 : f32
    %broadcast_in_dim3A_123 = vector.broadcast %broadcast_in_dim3A_122 : f32 to vector<16x128xf32>
    %slice3A_124 = vector.extract_strided_slice %max3A_121 {offsets = [0, 0], sizes = [9984, 128], strides = [1, 1]} : vector<10000x128xf32> to vector<9984x128xf32>
    %concatenate3A_125 = tpu.concatenate %broadcast_in_dim3A_123, %slice3A_124 in 0 : vector<16x128xf32>, vector<9984x128xf32> -> vector<10000x128xf32>
    %broadcast_in_dim3A_126 = arith.constant -1 : i32
    %broadcast_in_dim3A_127 = vector.broadcast %broadcast_in_dim3A_126 : i32 to vector<16x1xi32>
    %slice3A_128 = vector.extract_strided_slice %get3A_58 {offsets = [0, 0], sizes = [9984, 1], strides = [1, 1]} : vector<10000x1xi32> to vector<9984x1xi32>
    %concatenate3A_129 = tpu.concatenate %broadcast_in_dim3A_127, %slice3A_128 in 0 : vector<16x1xi32>, vector<9984x1xi32> -> vector<10000x1xi32>
    %eq3A_130 = arith.cmpi eq, %get3A_58, %concatenate3A_129 : vector<10000x1xi32>
    %jit3A_131 = arith.constant 0.000000e+00 : f32
    %jit3A_132 = arith.constant 0xFF800000 : f32
    %broadcast_in_dim3A_133 = vector.broadcast %jit3A_131 : f32 to vector<10000x1xf32>
    %broadcast_in_dim3A_134 = vector.broadcast %jit3A_132 : f32 to vector<10000x1xf32>
    %select_n3A_135 = arith.select %eq3A_130, %broadcast_in_dim3A_133, %broadcast_in_dim3A_134 : vector<10000x1xi1>, vector<10000x1xf32>
    %add3A_136 = vector.broadcast %select_n3A_135 : vector<10000x1xf32> to vector<10000x128xf32>
    %add3A_137 = arith.addf %concatenate3A_125, %add3A_136 : vector<10000x128xf32>
    %max3A_138 = arith.maximumf %max3A_121, %add3A_137 : vector<10000x128xf32>
    %broadcast_in_dim3A_139 = arith.constant 0xFF800000 : f32
    %broadcast_in_dim3A_140 = vector.broadcast %broadcast_in_dim3A_139 : f32 to vector<32x128xf32>
    %slice3A_141 = vector.extract_strided_slice %max3A_138 {offsets = [0, 0], sizes = [9968, 128], strides = [1, 1]} : vector<10000x128xf32> to vector<9968x128xf32>
    %concatenate3A_142 = tpu.concatenate %broadcast_in_dim3A_140, %slice3A_141 in 0 : vector<32x128xf32>, vector<9968x128xf32> -> vector<10000x128xf32>
    %broadcast_in_dim3A_143 = arith.constant -1 : i32
    %broadcast_in_dim3A_144 = vector.broadcast %broadcast_in_dim3A_143 : i32 to vector<32x1xi32>
    %slice3A_145 = vector.extract_strided_slice %get3A_58 {offsets = [0, 0], sizes = [9968, 1], strides = [1, 1]} : vector<10000x1xi32> to vector<9968x1xi32>
    %concatenate3A_146 = tpu.concatenate %broadcast_in_dim3A_144, %slice3A_145 in 0 : vector<32x1xi32>, vector<9968x1xi32> -> vector<10000x1xi32>
    %eq3A_147 = arith.cmpi eq, %get3A_58, %concatenate3A_146 : vector<10000x1xi32>
    %jit3A_148 = arith.constant 0.000000e+00 : f32
    %jit3A_149 = arith.constant 0xFF800000 : f32
    %broadcast_in_dim3A_150 = vector.broadcast %jit3A_148 : f32 to vector<10000x1xf32>
    %broadcast_in_dim3A_151 = vector.broadcast %jit3A_149 : f32 to vector<10000x1xf32>
    %select_n3A_152 = arith.select %eq3A_147, %broadcast_in_dim3A_150, %broadcast_in_dim3A_151 : vector<10000x1xi1>, vector<10000x1xf32>
    %add3A_153 = vector.broadcast %select_n3A_152 : vector<10000x1xf32> to vector<10000x128xf32>
    %add3A_154 = arith.addf %concatenate3A_142, %add3A_153 : vector<10000x128xf32>
    %max3A_155 = arith.maximumf %max3A_138, %add3A_154 : vector<10000x128xf32>
    %broadcast_in_dim3A_156 = arith.constant 0xFF800000 : f32
    %broadcast_in_dim3A_157 = vector.broadcast %broadcast_in_dim3A_156 : f32 to vector<64x128xf32>
    %slice3A_158 = vector.extract_strided_slice %max3A_155 {offsets = [0, 0], sizes = [9936, 128], strides = [1, 1]} : vector<10000x128xf32> to vector<9936x128xf32>
    %concatenate3A_159 = tpu.concatenate %broadcast_in_dim3A_157, %slice3A_158 in 0 : vector<64x128xf32>, vector<9936x128xf32> -> vector<10000x128xf32>
    %broadcast_in_dim3A_160 = arith.constant -1 : i32
    %broadcast_in_dim3A_161 = vector.broadcast %broadcast_in_dim3A_160 : i32 to vector<64x1xi32>
    %slice3A_162 = vector.extract_strided_slice %get3A_58 {offsets = [0, 0], sizes = [9936, 1], strides = [1, 1]} : vector<10000x1xi32> to vector<9936x1xi32>
    %concatenate3A_163 = tpu.concatenate %broadcast_in_dim3A_161, %slice3A_162 in 0 : vector<64x1xi32>, vector<9936x1xi32> -> vector<10000x1xi32>
    %eq3A_164 = arith.cmpi eq, %get3A_58, %concatenate3A_163 : vector<10000x1xi32>
    %jit3A_165 = arith.constant 0.000000e+00 : f32
    %jit3A_166 = arith.constant 0xFF800000 : f32
    %broadcast_in_dim3A_167 = vector.broadcast %jit3A_165 : f32 to vector<10000x1xf32>
    %broadcast_in_dim3A_168 = vector.broadcast %jit3A_166 : f32 to vector<10000x1xf32>
    %select_n3A_169 = arith.select %eq3A_164, %broadcast_in_dim3A_167, %broadcast_in_dim3A_168 : vector<10000x1xi1>, vector<10000x1xf32>
    %add3A_170 = vector.broadcast %select_n3A_169 : vector<10000x1xf32> to vector<10000x128xf32>
    %add3A_171 = arith.addf %concatenate3A_159, %add3A_170 : vector<10000x128xf32>
    %max3A_172 = arith.maximumf %max3A_155, %add3A_171 : vector<10000x128xf32>
    %broadcast_in_dim3A_173 = arith.constant 0xFF800000 : f32
    %broadcast_in_dim3A_174 = vector.broadcast %broadcast_in_dim3A_173 : f32 to vector<128x128xf32>
    %slice3A_175 = vector.extract_strided_slice %max3A_172 {offsets = [0, 0], sizes = [9872, 128], strides = [1, 1]} : vector<10000x128xf32> to vector<9872x128xf32>
    %concatenate3A_176 = tpu.concatenate %broadcast_in_dim3A_174, %slice3A_175 in 0 : vector<128x128xf32>, vector<9872x128xf32> -> vector<10000x128xf32>
    %broadcast_in_dim3A_177 = arith.constant -1 : i32
    %broadcast_in_dim3A_178 = vector.broadcast %broadcast_in_dim3A_177 : i32 to vector<128x1xi32>
    %slice3A_179 = vector.extract_strided_slice %get3A_58 {offsets = [0, 0], sizes = [9872, 1], strides = [1, 1]} : vector<10000x1xi32> to vector<9872x1xi32>
    %concatenate3A_180 = tpu.concatenate %broadcast_in_dim3A_178, %slice3A_179 in 0 : vector<128x1xi32>, vector<9872x1xi32> -> vector<10000x1xi32>
    %eq3A_181 = arith.cmpi eq, %get3A_58, %concatenate3A_180 : vector<10000x1xi32>
    %jit3A_182 = arith.constant 0.000000e+00 : f32
    %jit3A_183 = arith.constant 0xFF800000 : f32
    %broadcast_in_dim3A_184 = vector.broadcast %jit3A_182 : f32 to vector<10000x1xf32>
    %broadcast_in_dim3A_185 = vector.broadcast %jit3A_183 : f32 to vector<10000x1xf32>
    %select_n3A_186 = arith.select %eq3A_181, %broadcast_in_dim3A_184, %broadcast_in_dim3A_185 : vector<10000x1xi1>, vector<10000x1xf32>
    %add3A_187 = vector.broadcast %select_n3A_186 : vector<10000x1xf32> to vector<10000x128xf32>
    %add3A_188 = arith.addf %concatenate3A_176, %add3A_187 : vector<10000x128xf32>
    %max3A_189 = arith.maximumf %max3A_172, %add3A_188 : vector<10000x128xf32>
    %broadcast_in_dim3A_190 = arith.constant 0xFF800000 : f32
    %broadcast_in_dim3A_191 = vector.broadcast %broadcast_in_dim3A_190 : f32 to vector<256x128xf32>
    %slice3A_192 = vector.extract_strided_slice %max3A_189 {offsets = [0, 0], sizes = [9744, 128], strides = [1, 1]} : vector<10000x128xf32> to vector<9744x128xf32>
    %concatenate3A_193 = tpu.concatenate %broadcast_in_dim3A_191, %slice3A_192 in 0 : vector<256x128xf32>, vector<9744x128xf32> -> vector<10000x128xf32>
    %broadcast_in_dim3A_194 = arith.constant -1 : i32
    %broadcast_in_dim3A_195 = vector.broadcast %broadcast_in_dim3A_194 : i32 to vector<256x1xi32>
    %slice3A_196 = vector.extract_strided_slice %get3A_58 {offsets = [0, 0], sizes = [9744, 1], strides = [1, 1]} : vector<10000x1xi32> to vector<9744x1xi32>
    %concatenate3A_197 = tpu.concatenate %broadcast_in_dim3A_195, %slice3A_196 in 0 : vector<256x1xi32>, vector<9744x1xi32> -> vector<10000x1xi32>
    %eq3A_198 = arith.cmpi eq, %get3A_58, %concatenate3A_197 : vector<10000x1xi32>
    %jit3A_199 = arith.constant 0.000000e+00 : f32
    %jit3A_200 = arith.constant 0xFF800000 : f32
    %broadcast_in_dim3A_201 = vector.broadcast %jit3A_199 : f32 to vector<10000x1xf32>
    %broadcast_in_dim3A_202 = vector.broadcast %jit3A_200 : f32 to vector<10000x1xf32>
    %select_n3A_203 = arith.select %eq3A_198, %broadcast_in_dim3A_201, %broadcast_in_dim3A_202 : vector<10000x1xi1>, vector<10000x1xf32>
    %add3A_204 = vector.broadcast %select_n3A_203 : vector<10000x1xf32> to vector<10000x128xf32>
    %add3A_205 = arith.addf %concatenate3A_193, %add3A_204 : vector<10000x128xf32>
    %max3A_206 = arith.maximumf %max3A_189, %add3A_205 : vector<10000x128xf32>
    %broadcast_in_dim3A_207 = arith.constant 0xFF800000 : f32
    %broadcast_in_dim3A_208 = vector.broadcast %broadcast_in_dim3A_207 : f32 to vector<512x128xf32>
    %slice3A_209 = vector.extract_strided_slice %max3A_206 {offsets = [0, 0], sizes = [9488, 128], strides = [1, 1]} : vector<10000x128xf32> to vector<9488x128xf32>
    %concatenate3A_210 = tpu.concatenate %broadcast_in_dim3A_208, %slice3A_209 in 0 : vector<512x128xf32>, vector<9488x128xf32> -> vector<10000x128xf32>
    %broadcast_in_dim3A_211 = arith.constant -1 : i32
    %broadcast_in_dim3A_212 = vector.broadcast %broadcast_in_dim3A_211 : i32 to vector<512x1xi32>
    %slice3A_213 = vector.extract_strided_slice %get3A_58 {offsets = [0, 0], sizes = [9488, 1], strides = [1, 1]} : vector<10000x1xi32> to vector<9488x1xi32>
    %concatenate3A_214 = tpu.concatenate %broadcast_in_dim3A_212, %slice3A_213 in 0 : vector<512x1xi32>, vector<9488x1xi32> -> vector<10000x1xi32>
    %eq3A_215 = arith.cmpi eq, %get3A_58, %concatenate3A_214 : vector<10000x1xi32>
    %jit3A_216 = arith.constant 0.000000e+00 : f32
    %jit3A_217 = arith.constant 0xFF800000 : f32
    %broadcast_in_dim3A_218 = vector.broadcast %jit3A_216 : f32 to vector<10000x1xf32>
    %broadcast_in_dim3A_219 = vector.broadcast %jit3A_217 : f32 to vector<10000x1xf32>
    %select_n3A_220 = arith.select %eq3A_215, %broadcast_in_dim3A_218, %broadcast_in_dim3A_219 : vector<10000x1xi1>, vector<10000x1xf32>
    %add3A_221 = vector.broadcast %select_n3A_220 : vector<10000x1xf32> to vector<10000x128xf32>
    %add3A_222 = arith.addf %concatenate3A_210, %add3A_221 : vector<10000x128xf32>
    %max3A_223 = arith.maximumf %max3A_206, %add3A_222 : vector<10000x128xf32>
    %broadcast_in_dim3A_224 = arith.constant 0xFF800000 : f32
    %broadcast_in_dim3A_225 = vector.broadcast %broadcast_in_dim3A_224 : f32 to vector<1024x128xf32>
    %slice3A_226 = vector.extract_strided_slice %max3A_223 {offsets = [0, 0], sizes = [8976, 128], strides = [1, 1]} : vector<10000x128xf32> to vector<8976x128xf32>
    %concatenate3A_227 = tpu.concatenate %broadcast_in_dim3A_225, %slice3A_226 in 0 : vector<1024x128xf32>, vector<8976x128xf32> -> vector<10000x128xf32>
    %broadcast_in_dim3A_228 = arith.constant -1 : i32
    %broadcast_in_dim3A_229 = vector.broadcast %broadcast_in_dim3A_228 : i32 to vector<1024x1xi32>
    %slice3A_230 = vector.extract_strided_slice %get3A_58 {offsets = [0, 0], sizes = [8976, 1], strides = [1, 1]} : vector<10000x1xi32> to vector<8976x1xi32>
    %concatenate3A_231 = tpu.concatenate %broadcast_in_dim3A_229, %slice3A_230 in 0 : vector<1024x1xi32>, vector<8976x1xi32> -> vector<10000x1xi32>
    %eq3A_232 = arith.cmpi eq, %get3A_58, %concatenate3A_231 : vector<10000x1xi32>
    %jit3A_233 = arith.constant 0.000000e+00 : f32
    %jit3A_234 = arith.constant 0xFF800000 : f32
    %broadcast_in_dim3A_235 = vector.broadcast %jit3A_233 : f32 to vector<10000x1xf32>
    %broadcast_in_dim3A_236 = vector.broadcast %jit3A_234 : f32 to vector<10000x1xf32>
    %select_n3A_237 = arith.select %eq3A_232, %broadcast_in_dim3A_235, %broadcast_in_dim3A_236 : vector<10000x1xi1>, vector<10000x1xf32>
    %add3A_238 = vector.broadcast %select_n3A_237 : vector<10000x1xf32> to vector<10000x128xf32>
    %add3A_239 = arith.addf %concatenate3A_227, %add3A_238 : vector<10000x128xf32>
    %max3A_240 = arith.maximumf %max3A_223, %add3A_239 : vector<10000x128xf32>
    %broadcast_in_dim3A_241 = arith.constant 0xFF800000 : f32
    %broadcast_in_dim3A_242 = vector.broadcast %broadcast_in_dim3A_241 : f32 to vector<2048x128xf32>
    %slice3A_243 = vector.extract_strided_slice %max3A_240 {offsets = [0, 0], sizes = [7952, 128], strides = [1, 1]} : vector<10000x128xf32> to vector<7952x128xf32>
    %concatenate3A_244 = tpu.concatenate %broadcast_in_dim3A_242, %slice3A_243 in 0 : vector<2048x128xf32>, vector<7952x128xf32> -> vector<10000x128xf32>
    %broadcast_in_dim3A_245 = arith.constant -1 : i32
    %broadcast_in_dim3A_246 = vector.broadcast %broadcast_in_dim3A_245 : i32 to vector<2048x1xi32>
    %slice3A_247 = vector.extract_strided_slice %get3A_58 {offsets = [0, 0], sizes = [7952, 1], strides = [1, 1]} : vector<10000x1xi32> to vector<7952x1xi32>
    %concatenate3A_248 = tpu.concatenate %broadcast_in_dim3A_246, %slice3A_247 in 0 : vector<2048x1xi32>, vector<7952x1xi32> -> vector<10000x1xi32>
    %eq3A_249 = arith.cmpi eq, %get3A_58, %concatenate3A_248 : vector<10000x1xi32>
    %jit3A_250 = arith.constant 0.000000e+00 : f32
    %jit3A_251 = arith.constant 0xFF800000 : f32
    %broadcast_in_dim3A_252 = vector.broadcast %jit3A_250 : f32 to vector<10000x1xf32>
    %broadcast_in_dim3A_253 = vector.broadcast %jit3A_251 : f32 to vector<10000x1xf32>
    %select_n3A_254 = arith.select %eq3A_249, %broadcast_in_dim3A_252, %broadcast_in_dim3A_253 : vector<10000x1xi1>, vector<10000x1xf32>
    %add3A_255 = vector.broadcast %select_n3A_254 : vector<10000x1xf32> to vector<10000x128xf32>
    %add3A_256 = arith.addf %concatenate3A_244, %add3A_255 : vector<10000x128xf32>
    %max3A_257 = arith.maximumf %max3A_240, %add3A_256 : vector<10000x128xf32>
    %broadcast_in_dim3A_258 = arith.constant 0xFF800000 : f32
    %broadcast_in_dim3A_259 = vector.broadcast %broadcast_in_dim3A_258 : f32 to vector<4096x128xf32>
    %slice3A_260 = vector.extract_strided_slice %max3A_257 {offsets = [0, 0], sizes = [5904, 128], strides = [1, 1]} : vector<10000x128xf32> to vector<5904x128xf32>
    %concatenate3A_261 = tpu.concatenate %broadcast_in_dim3A_259, %slice3A_260 in 0 : vector<4096x128xf32>, vector<5904x128xf32> -> vector<10000x128xf32>
    %broadcast_in_dim3A_262 = arith.constant -1 : i32
    %broadcast_in_dim3A_263 = vector.broadcast %broadcast_in_dim3A_262 : i32 to vector<4096x1xi32>
    %slice3A_264 = vector.extract_strided_slice %get3A_58 {offsets = [0, 0], sizes = [5904, 1], strides = [1, 1]} : vector<10000x1xi32> to vector<5904x1xi32>
    %concatenate3A_265 = tpu.concatenate %broadcast_in_dim3A_263, %slice3A_264 in 0 : vector<4096x1xi32>, vector<5904x1xi32> -> vector<10000x1xi32>
    %eq3A_266 = arith.cmpi eq, %get3A_58, %concatenate3A_265 : vector<10000x1xi32>
    %jit3A_267 = arith.constant 0.000000e+00 : f32
    %jit3A_268 = arith.constant 0xFF800000 : f32
    %broadcast_in_dim3A_269 = vector.broadcast %jit3A_267 : f32 to vector<10000x1xf32>
    %broadcast_in_dim3A_270 = vector.broadcast %jit3A_268 : f32 to vector<10000x1xf32>
    %select_n3A_271 = arith.select %eq3A_266, %broadcast_in_dim3A_269, %broadcast_in_dim3A_270 : vector<10000x1xi1>, vector<10000x1xf32>
    %add3A_272 = vector.broadcast %select_n3A_271 : vector<10000x1xf32> to vector<10000x128xf32>
    %add3A_273 = arith.addf %concatenate3A_261, %add3A_272 : vector<10000x128xf32>
    %max3A_274 = arith.maximumf %max3A_257, %add3A_273 : vector<10000x128xf32>
    %broadcast_in_dim3A_275 = arith.constant 0xFF800000 : f32
    %broadcast_in_dim3A_276 = vector.broadcast %broadcast_in_dim3A_275 : f32 to vector<8192x128xf32>
    %slice3A_277 = vector.extract_strided_slice %max3A_274 {offsets = [0, 0], sizes = [1808, 128], strides = [1, 1]} : vector<10000x128xf32> to vector<1808x128xf32>
    %concatenate3A_278 = tpu.concatenate %broadcast_in_dim3A_276, %slice3A_277 in 0 : vector<8192x128xf32>, vector<1808x128xf32> -> vector<10000x128xf32>
    %broadcast_in_dim3A_279 = arith.constant -1 : i32
    %broadcast_in_dim3A_280 = vector.broadcast %broadcast_in_dim3A_279 : i32 to vector<8192x1xi32>
    %slice3A_281 = vector.extract_strided_slice %get3A_58 {offsets = [0, 0], sizes = [1808, 1], strides = [1, 1]} : vector<10000x1xi32> to vector<1808x1xi32>
    %concatenate3A_282 = tpu.concatenate %broadcast_in_dim3A_280, %slice3A_281 in 0 : vector<8192x1xi32>, vector<1808x1xi32> -> vector<10000x1xi32>
    %eq3A_283 = arith.cmpi eq, %get3A_58, %concatenate3A_282 : vector<10000x1xi32>
    %jit3A_284 = arith.constant 0.000000e+00 : f32
    %jit3A_285 = arith.constant 0xFF800000 : f32
    %broadcast_in_dim3A_286 = vector.broadcast %jit3A_284 : f32 to vector<10000x1xf32>
    %broadcast_in_dim3A_287 = vector.broadcast %jit3A_285 : f32 to vector<10000x1xf32>
    %select_n3A_288 = arith.select %eq3A_283, %broadcast_in_dim3A_286, %broadcast_in_dim3A_287 : vector<10000x1xi1>, vector<10000x1xf32>
    %add3A_289 = vector.broadcast %select_n3A_288 : vector<10000x1xf32> to vector<10000x128xf32>
    %add3A_290 = arith.addf %concatenate3A_278, %add3A_289 : vector<10000x128xf32>
    %max3A_291 = arith.maximumf %max3A_274, %add3A_290 : vector<10000x128xf32>
    %iota3A = tpu.iota {dimensions = array<i32: 0>} : vector<256x2000xi32>
    %broadcast_in_dim3A_292 = arith.constant 0.000000e+00 : f32
    %broadcast_in_dim3A_293 = vector.broadcast %broadcast_in_dim3A_292 : f32 to vector<256x128xf32>
    %broadcast_in_dim3A_294 = arith.constant 0.000000e+00 : f32
    %broadcast_in_dim3A_295 = vector.broadcast %broadcast_in_dim3A_294 : f32 to vector<256x1xf32>
    %get3A_296 = arith.constant 0 : index
    %get3A_297 = arith.constant 0 : index
    %get3A_298 = vector.load %arg8[%get3A_296, %get3A_297] : memref<1x10000xi32, #tpu.memory_space<vmem>>, vector<1x2000xi32>
    %eq3A_299 = vector.broadcast %get3A_298 : vector<1x2000xi32> to vector<256x2000xi32>
    %eq3A_300 = arith.cmpi eq, %iota3A, %eq3A_299 : vector<256x2000xi32>
    %convert_element_type3A = arith.extui %eq3A_300 : vector<256x2000xi1> to vector<256x2000xi32>
    %convert_element_type3A_301 = arith.sitofp %convert_element_type3A : vector<256x2000xi32> to vector<256x2000xf32>
    %slice3A_302 = vector.extract_strided_slice %max3A_291 {offsets = [0, 0], sizes = [2000, 128], strides = [1, 1]} : vector<10000x128xf32> to vector<2000x128xf32>
    %dot_general3A_303 = arith.constant dense<0.000000e+00> : vector<256x128xf32>
    %dot_general3A_304 = tpu.matmul %convert_element_type3A_301, %slice3A_302, %dot_general3A_303 {dimension_numbers = #tpu.dot_dimension_numbers<[1], [0], [0], [1], [0, 0, 1, 1], [], []>, transpose_lhs_hint = false} : vector<256x2000xf32>, vector<2000x128xf32>, vector<256x128xf32> -> vector<256x128xf32>
    %add3A_305 = arith.addf %broadcast_in_dim3A_293, %dot_general3A_304 : vector<256x128xf32>
    %get3A_306 = arith.constant 0 : index
    %get3A_307 = arith.constant 0 : index
    %get3A_308 = vector.load %arg9[%get3A_306, %get3A_307] : memref<1x10000xi32, #tpu.memory_space<vmem>>, vector<1x2000xi32>
    %eq3A_309 = vector.broadcast %get3A_308 : vector<1x2000xi32> to vector<256x2000xi32>
    %eq3A_310 = arith.cmpi eq, %iota3A, %eq3A_309 : vector<256x2000xi32>
    %convert_element_type3A_311 = arith.extui %eq3A_310 : vector<256x2000xi1> to vector<256x2000xi32>
    %convert_element_type3A_312 = arith.sitofp %convert_element_type3A_311 : vector<256x2000xi32> to vector<256x2000xf32>
    %reduce_sum3A = arith.constant dense<0.000000e+00> : vector<256xf32>
    %reduce_sum3A_313 = vector.multi_reduction <add>, %convert_element_type3A_312, %reduce_sum3A [1] : vector<256x2000xf32> to vector<256xf32>
    %broadcast_in_dim3A_314 = vector.shape_cast %reduce_sum3A_313 : vector<256xf32> to vector<256x1xf32>
    %add3A_315 = arith.addf %broadcast_in_dim3A_295, %broadcast_in_dim3A_314 : vector<256x1xf32>
    %get3A_316 = arith.constant 0 : index
    %get3A_317 = arith.constant 2000 : index
    %get3A_318 = vector.load %arg8[%get3A_316, %get3A_317] : memref<1x10000xi32, #tpu.memory_space<vmem>>, vector<1x2000xi32>
    %eq3A_319 = vector.broadcast %get3A_318 : vector<1x2000xi32> to vector<256x2000xi32>
    %eq3A_320 = arith.cmpi eq, %iota3A, %eq3A_319 : vector<256x2000xi32>
    %convert_element_type3A_321 = arith.extui %eq3A_320 : vector<256x2000xi1> to vector<256x2000xi32>
    %convert_element_type3A_322 = arith.sitofp %convert_element_type3A_321 : vector<256x2000xi32> to vector<256x2000xf32>
    %slice3A_323 = vector.extract_strided_slice %max3A_291 {offsets = [2000, 0], sizes = [2000, 128], strides = [1, 1]} : vector<10000x128xf32> to vector<2000x128xf32>
    %dot_general3A_324 = arith.constant dense<0.000000e+00> : vector<256x128xf32>
    %dot_general3A_325 = tpu.matmul %convert_element_type3A_322, %slice3A_323, %dot_general3A_324 {dimension_numbers = #tpu.dot_dimension_numbers<[1], [0], [0], [1], [0, 0, 1, 1], [], []>, transpose_lhs_hint = false} : vector<256x2000xf32>, vector<2000x128xf32>, vector<256x128xf32> -> vector<256x128xf32>
    %add3A_326 = arith.addf %add3A_305, %dot_general3A_325 : vector<256x128xf32>
    %get3A_327 = arith.constant 0 : index
    %get3A_328 = arith.constant 2000 : index
    %get3A_329 = vector.load %arg9[%get3A_327, %get3A_328] : memref<1x10000xi32, #tpu.memory_space<vmem>>, vector<1x2000xi32>
    %eq3A_330 = vector.broadcast %get3A_329 : vector<1x2000xi32> to vector<256x2000xi32>
    %eq3A_331 = arith.cmpi eq, %iota3A, %eq3A_330 : vector<256x2000xi32>
    %convert_element_type3A_332 = arith.extui %eq3A_331 : vector<256x2000xi1> to vector<256x2000xi32>
    %convert_element_type3A_333 = arith.sitofp %convert_element_type3A_332 : vector<256x2000xi32> to vector<256x2000xf32>
    %reduce_sum3A_334 = arith.constant dense<0.000000e+00> : vector<256xf32>
    %reduce_sum3A_335 = vector.multi_reduction <add>, %convert_element_type3A_333, %reduce_sum3A_334 [1] : vector<256x2000xf32> to vector<256xf32>
    %broadcast_in_dim3A_336 = vector.shape_cast %reduce_sum3A_335 : vector<256xf32> to vector<256x1xf32>
    %add3A_337 = arith.addf %add3A_315, %broadcast_in_dim3A_336 : vector<256x1xf32>
    %get3A_338 = arith.constant 0 : index
    %get3A_339 = arith.constant 4000 : index
    %get3A_340 = vector.load %arg8[%get3A_338, %get3A_339] : memref<1x10000xi32, #tpu.memory_space<vmem>>, vector<1x2000xi32>
    %eq3A_341 = vector.broadcast %get3A_340 : vector<1x2000xi32> to vector<256x2000xi32>
    %eq3A_342 = arith.cmpi eq, %iota3A, %eq3A_341 : vector<256x2000xi32>
    %convert_element_type3A_343 = arith.extui %eq3A_342 : vector<256x2000xi1> to vector<256x2000xi32>
    %convert_element_type3A_344 = arith.sitofp %convert_element_type3A_343 : vector<256x2000xi32> to vector<256x2000xf32>
    %slice3A_345 = vector.extract_strided_slice %max3A_291 {offsets = [4000, 0], sizes = [2000, 128], strides = [1, 1]} : vector<10000x128xf32> to vector<2000x128xf32>
    %dot_general3A_346 = arith.constant dense<0.000000e+00> : vector<256x128xf32>
    %dot_general3A_347 = tpu.matmul %convert_element_type3A_344, %slice3A_345, %dot_general3A_346 {dimension_numbers = #tpu.dot_dimension_numbers<[1], [0], [0], [1], [0, 0, 1, 1], [], []>, transpose_lhs_hint = false} : vector<256x2000xf32>, vector<2000x128xf32>, vector<256x128xf32> -> vector<256x128xf32>
    %add3A_348 = arith.addf %add3A_326, %dot_general3A_347 : vector<256x128xf32>
    %get3A_349 = arith.constant 0 : index
    %get3A_350 = arith.constant 4000 : index
    %get3A_351 = vector.load %arg9[%get3A_349, %get3A_350] : memref<1x10000xi32, #tpu.memory_space<vmem>>, vector<1x2000xi32>
    %eq3A_352 = vector.broadcast %get3A_351 : vector<1x2000xi32> to vector<256x2000xi32>
    %eq3A_353 = arith.cmpi eq, %iota3A, %eq3A_352 : vector<256x2000xi32>
    %convert_element_type3A_354 = arith.extui %eq3A_353 : vector<256x2000xi1> to vector<256x2000xi32>
    %convert_element_type3A_355 = arith.sitofp %convert_element_type3A_354 : vector<256x2000xi32> to vector<256x2000xf32>
    %reduce_sum3A_356 = arith.constant dense<0.000000e+00> : vector<256xf32>
    %reduce_sum3A_357 = vector.multi_reduction <add>, %convert_element_type3A_355, %reduce_sum3A_356 [1] : vector<256x2000xf32> to vector<256xf32>
    %broadcast_in_dim3A_358 = vector.shape_cast %reduce_sum3A_357 : vector<256xf32> to vector<256x1xf32>
    %add3A_359 = arith.addf %add3A_337, %broadcast_in_dim3A_358 : vector<256x1xf32>
    %get3A_360 = arith.constant 0 : index
    %get3A_361 = arith.constant 6000 : index
    %get3A_362 = vector.load %arg8[%get3A_360, %get3A_361] : memref<1x10000xi32, #tpu.memory_space<vmem>>, vector<1x2000xi32>
    %eq3A_363 = vector.broadcast %get3A_362 : vector<1x2000xi32> to vector<256x2000xi32>
    %eq3A_364 = arith.cmpi eq, %iota3A, %eq3A_363 : vector<256x2000xi32>
    %convert_element_type3A_365 = arith.extui %eq3A_364 : vector<256x2000xi1> to vector<256x2000xi32>
    %convert_element_type3A_366 = arith.sitofp %convert_element_type3A_365 : vector<256x2000xi32> to vector<256x2000xf32>
    %slice3A_367 = vector.extract_strided_slice %max3A_291 {offsets = [6000, 0], sizes = [2000, 128], strides = [1, 1]} : vector<10000x128xf32> to vector<2000x128xf32>
    %dot_general3A_368 = arith.constant dense<0.000000e+00> : vector<256x128xf32>
    %dot_general3A_369 = tpu.matmul %convert_element_type3A_366, %slice3A_367, %dot_general3A_368 {dimension_numbers = #tpu.dot_dimension_numbers<[1], [0], [0], [1], [0, 0, 1, 1], [], []>, transpose_lhs_hint = false} : vector<256x2000xf32>, vector<2000x128xf32>, vector<256x128xf32> -> vector<256x128xf32>
    %add3A_370 = arith.addf %add3A_348, %dot_general3A_369 : vector<256x128xf32>
    %get3A_371 = arith.constant 0 : index
    %get3A_372 = arith.constant 6000 : index
    %get3A_373 = vector.load %arg9[%get3A_371, %get3A_372] : memref<1x10000xi32, #tpu.memory_space<vmem>>, vector<1x2000xi32>
    %eq3A_374 = vector.broadcast %get3A_373 : vector<1x2000xi32> to vector<256x2000xi32>
    %eq3A_375 = arith.cmpi eq, %iota3A, %eq3A_374 : vector<256x2000xi32>
    %convert_element_type3A_376 = arith.extui %eq3A_375 : vector<256x2000xi1> to vector<256x2000xi32>
    %convert_element_type3A_377 = arith.sitofp %convert_element_type3A_376 : vector<256x2000xi32> to vector<256x2000xf32>
    %reduce_sum3A_378 = arith.constant dense<0.000000e+00> : vector<256xf32>
    %reduce_sum3A_379 = vector.multi_reduction <add>, %convert_element_type3A_377, %reduce_sum3A_378 [1] : vector<256x2000xf32> to vector<256xf32>
    %broadcast_in_dim3A_380 = vector.shape_cast %reduce_sum3A_379 : vector<256xf32> to vector<256x1xf32>
    %add3A_381 = arith.addf %add3A_359, %broadcast_in_dim3A_380 : vector<256x1xf32>
    %get3A_382 = arith.constant 0 : index
    %get3A_383 = arith.constant 8000 : index
    %get3A_384 = vector.load %arg8[%get3A_382, %get3A_383] : memref<1x10000xi32, #tpu.memory_space<vmem>>, vector<1x2000xi32>
    %eq3A_385 = vector.broadcast %get3A_384 : vector<1x2000xi32> to vector<256x2000xi32>
    %eq3A_386 = arith.cmpi eq, %iota3A, %eq3A_385 : vector<256x2000xi32>
    %convert_element_type3A_387 = arith.extui %eq3A_386 : vector<256x2000xi1> to vector<256x2000xi32>
    %convert_element_type3A_388 = arith.sitofp %convert_element_type3A_387 : vector<256x2000xi32> to vector<256x2000xf32>
    %slice3A_389 = vector.extract_strided_slice %max3A_291 {offsets = [8000, 0], sizes = [2000, 128], strides = [1, 1]} : vector<10000x128xf32> to vector<2000x128xf32>
    %dot_general3A_390 = arith.constant dense<0.000000e+00> : vector<256x128xf32>
    %dot_general3A_391 = tpu.matmul %convert_element_type3A_388, %slice3A_389, %dot_general3A_390 {dimension_numbers = #tpu.dot_dimension_numbers<[1], [0], [0], [1], [0, 0, 1, 1], [], []>, transpose_lhs_hint = false} : vector<256x2000xf32>, vector<2000x128xf32>, vector<256x128xf32> -> vector<256x128xf32>
    %add3A_392 = arith.addf %add3A_370, %dot_general3A_391 : vector<256x128xf32>
    %get3A_393 = arith.constant 0 : index
    %get3A_394 = arith.constant 8000 : index
    %get3A_395 = vector.load %arg9[%get3A_393, %get3A_394] : memref<1x10000xi32, #tpu.memory_space<vmem>>, vector<1x2000xi32>
    %eq3A_396 = vector.broadcast %get3A_395 : vector<1x2000xi32> to vector<256x2000xi32>
    %eq3A_397 = arith.cmpi eq, %iota3A, %eq3A_396 : vector<256x2000xi32>
    %convert_element_type3A_398 = arith.extui %eq3A_397 : vector<256x2000xi1> to vector<256x2000xi32>
    %convert_element_type3A_399 = arith.sitofp %convert_element_type3A_398 : vector<256x2000xi32> to vector<256x2000xf32>
    %reduce_sum3A_400 = arith.constant dense<0.000000e+00> : vector<256xf32>
    %reduce_sum3A_401 = vector.multi_reduction <add>, %convert_element_type3A_399, %reduce_sum3A_400 [1] : vector<256x2000xf32> to vector<256xf32>
    %broadcast_in_dim3A_402 = vector.shape_cast %reduce_sum3A_401 : vector<256xf32> to vector<256x1xf32>
    %add3A_403 = arith.addf %add3A_381, %broadcast_in_dim3A_402 : vector<256x1xf32>
    %gt3A_404 = arith.constant 0.000000e+00 : f32
    %gt3A_405 = vector.broadcast %gt3A_404 : f32 to vector<256x1xf32>
    %gt3A_406 = arith.cmpf ogt, %add3A_403, %gt3A_405 : vector<256x1xf32>
    %jit3A_407 = arith.constant 0xFF800000 : f32
    %broadcast_in_dim3A_408 = vector.shape_cast %gt3A_406 : vector<256x1xi1> to vector<256x1xi1>
    %broadcast_in_dim3A_409 = vector.broadcast %broadcast_in_dim3A_408 : vector<256x1xi1> to vector<256x128xi1>
    %broadcast_in_dim3A_410 = vector.broadcast %jit3A_407 : f32 to vector<256x128xf32>
    %select_n3A_411 = arith.select %broadcast_in_dim3A_409, %add3A_392, %broadcast_in_dim3A_410 : vector<256x128xi1>, vector<256x128xf32>
    %swap3A_412 = arith.constant 0 : index
    %swap3A_413 = arith.constant 0 : index
    %swap3A_414 = vector.load %arg11[%swap3A_412, %swap3A_413] : memref<256x128xf32, #tpu.memory_space<vmem>>, vector<256x128xf32>
    tpu.vector_store %arg11[%swap3A_412, %swap3A_413], %select_n3A_411 {strides = array<i32>} : memref<256x128xf32, #tpu.memory_space<vmem>>, vector<256x128xf32>,
    %swap3A_415 = arith.constant 0 : index
    %swap3A_416 = arith.constant 0 : index
    %swap3A_417 = vector.load %arg12[%swap3A_415, %swap3A_416] : memref<256x1xf32, #tpu.memory_space<vmem>>, vector<256x1xf32>
    tpu.vector_store %arg12[%swap3A_415, %swap3A_416], %add3A_403 {strides = array<i32>} : memref<256x1xf32, #tpu.memory_space<vmem>>, vector<256x1xf32>,
    return
  }
}

module attributes {stable_mosaic.version = 14 : i64} {
  func.func @_heads_kernel(%arg0: memref<2x256x128xf32, #tpu.memory_space<vmem>>, %arg1: memref<256x128xf32, #tpu.memory_space<vmem>>, %arg2: memref<256x1xf32, #tpu.memory_space<vmem>>, %arg3: memref<256x128xf32, #tpu.memory_space<vmem>>, %arg4: memref<256x10xf32, #tpu.memory_space<vmem>>, %arg5: memref<384x256xf32, #tpu.memory_space<vmem>>, %arg6: memref<1x256xf32, #tpu.memory_space<vmem>>, %arg7: memref<256x10xf32, #tpu.memory_space<vmem>>, %arg8: memref<1x10xf32, #tpu.memory_space<vmem>>, %arg9: memref<256x256xf32, #tpu.memory_space<vmem>>, %arg10: memref<1x256xf32, #tpu.memory_space<vmem>>, %arg11: memref<256x1xf32, #tpu.memory_space<vmem>>, %arg12: memref<1x1xf32, #tpu.memory_space<vmem>>, %arg13: memref<256x10xf32, #tpu.memory_space<vmem>>, %arg14: memref<256x1xf32, #tpu.memory_space<vmem>>) attributes {dimension_semantics = [], scalar_prefetch = 0 : i64, scratch_operands = 0 : i64, tpu.core_type = #tpu.core_type<tc>} {
    %get3A = arith.constant 0 : index
    %get3A_0 = arith.constant 0 : index
    %get3A_1 = arith.constant 0 : index
    %get3A_2 = vector.load %arg0[%get3A, %get3A_0, %get3A_1] : memref<2x256x128xf32, #tpu.memory_space<vmem>>, vector<1x256x128xf32>
    %get3A_3 = vector.shape_cast %get3A_2 : vector<1x256x128xf32> to vector<256x128xf32>
    %get3A_4 = arith.constant 1 : index
    %get3A_5 = arith.constant 0 : index
    %get3A_6 = arith.constant 0 : index
    %get3A_7 = vector.load %arg0[%get3A_4, %get3A_5, %get3A_6] : memref<2x256x128xf32, #tpu.memory_space<vmem>>, vector<1x256x128xf32>
    %get3A_8 = vector.shape_cast %get3A_7 : vector<1x256x128xf32> to vector<256x128xf32>
    %add3A = arith.addf %get3A_3, %get3A_8 : vector<256x128xf32>
    %get3A_9 = arith.constant 0 : index
    %get3A_10 = arith.constant 0 : index
    %get3A_11 = vector.load %arg2[%get3A_9, %get3A_10] : memref<256x1xf32, #tpu.memory_space<vmem>>, vector<256x1xf32>
    %max3A = arith.constant 1.000000e+00 : f32
    %max3A_12 = vector.broadcast %max3A : f32 to vector<256x1xf32>
    %max3A_13 = arith.maximumf %get3A_11, %max3A_12 : vector<256x1xf32>
    %div3A = vector.broadcast %max3A_13 : vector<256x1xf32> to vector<256x128xf32>
    %div3A_14 = arith.divf %add3A, %div3A : vector<256x128xf32>
    %get3A_15 = arith.constant 0 : index
    %get3A_16 = arith.constant 0 : index
    %get3A_17 = vector.load %arg1[%get3A_15, %get3A_16] : memref<256x128xf32, #tpu.memory_space<vmem>>, vector<256x128xf32>
    %concatenate3A = tpu.concatenate %div3A_14, %get3A_17 in 1 : vector<256x128xf32>, vector<256x128xf32> -> vector<256x256xf32>
    %get3A_18 = arith.constant 0 : index
    %get3A_19 = arith.constant 0 : index
    %get3A_20 = vector.load %arg3[%get3A_18, %get3A_19] : memref<256x128xf32, #tpu.memory_space<vmem>>, vector<256x128xf32>
    %concatenate3A_21 = tpu.concatenate %concatenate3A, %get3A_20 in 1 : vector<256x256xf32>, vector<256x128xf32> -> vector<256x384xf32>
    %get3A_22 = arith.constant 0 : index
    %get3A_23 = arith.constant 0 : index
    %get3A_24 = vector.load %arg5[%get3A_22, %get3A_23] : memref<384x256xf32, #tpu.memory_space<vmem>>, vector<384x256xf32>
    %dot_general3A = arith.constant dense<0.000000e+00> : vector<256x256xf32>
    %dot_general3A_25 = tpu.matmul %concatenate3A_21, %get3A_24, %dot_general3A {dimension_numbers = #tpu.dot_dimension_numbers<[1], [0], [0], [1], [0, 0, 1, 1], [], []>, transpose_lhs_hint = false} : vector<256x384xf32>, vector<384x256xf32>, vector<256x256xf32> -> vector<256x256xf32>
    %get3A_26 = arith.constant 0 : index
    %get3A_27 = arith.constant 0 : index
    %get3A_28 = vector.load %arg6[%get3A_26, %get3A_27] : memref<1x256xf32, #tpu.memory_space<vmem>>, vector<1x256xf32>
    %add3A_29 = vector.broadcast %get3A_28 : vector<1x256xf32> to vector<256x256xf32>
    %add3A_30 = arith.addf %dot_general3A_25, %add3A_29 : vector<256x256xf32>
    %gt3A = arith.constant 0.000000e+00 : f32
    %gt3A_31 = vector.broadcast %gt3A : f32 to vector<256x256xf32>
    %gt3A_32 = arith.cmpf ogt, %add3A_30, %gt3A_31 : vector<256x256xf32>
    %exp3A = math.exp %add3A_30 : vector<256x256xf32>
    %sub3A = arith.constant 1.000000e+00 : f32
    %sub3A_33 = vector.broadcast %sub3A : f32 to vector<256x256xf32>
    %sub3A_34 = arith.subf %exp3A, %sub3A_33 : vector<256x256xf32>
    %select_n3A = arith.select %gt3A_32, %add3A_30, %sub3A_34 : vector<256x256xi1>, vector<256x256xf32>
    %get3A_35 = arith.constant 0 : index
    %get3A_36 = arith.constant 0 : index
    %get3A_37 = vector.load %arg7[%get3A_35, %get3A_36] : memref<256x10xf32, #tpu.memory_space<vmem>>, vector<256x10xf32>
    %dot_general3A_38 = arith.constant dense<0.000000e+00> : vector<256x10xf32>
    %dot_general3A_39 = tpu.matmul %select_n3A, %get3A_37, %dot_general3A_38 {dimension_numbers = #tpu.dot_dimension_numbers<[1], [0], [0], [1], [0, 0, 1, 1], [], []>, transpose_lhs_hint = false} : vector<256x256xf32>, vector<256x10xf32>, vector<256x10xf32> -> vector<256x10xf32>
    %get3A_40 = arith.constant 0 : index
    %get3A_41 = arith.constant 0 : index
    %get3A_42 = vector.load %arg8[%get3A_40, %get3A_41] : memref<1x10xf32, #tpu.memory_space<vmem>>, vector<1x10xf32>
    %add3A_43 = vector.broadcast %get3A_42 : vector<1x10xf32> to vector<256x10xf32>
    %add3A_44 = arith.addf %dot_general3A_39, %add3A_43 : vector<256x10xf32>
    %get3A_45 = arith.constant 0 : index
    %get3A_46 = arith.constant 0 : index
    %get3A_47 = vector.load %arg4[%get3A_45, %get3A_46] : memref<256x10xf32, #tpu.memory_space<vmem>>, vector<256x10xf32>
    %reduce_sum3A = arith.constant dense<0.000000e+00> : vector<256xf32>
    %reduce_sum3A_48 = vector.multi_reduction <add>, %get3A_47, %reduce_sum3A [1] : vector<256x10xf32> to vector<256xf32>
    %broadcast_in_dim3A = vector.shape_cast %reduce_sum3A_48 : vector<256xf32> to vector<256x1xf32>
    %gt3A_49 = arith.constant 0.000000e+00 : f32
    %gt3A_50 = vector.broadcast %gt3A_49 : f32 to vector<256x1xf32>
    %gt3A_51 = arith.cmpf ogt, %broadcast_in_dim3A, %gt3A_50 : vector<256x1xf32>
    %broadcast_in_dim3A_52 = arith.constant 1.000000e+00 : f32
    %broadcast_in_dim3A_53 = vector.broadcast %broadcast_in_dim3A_52 : f32 to vector<256x10xf32>
    %broadcast_in_dim3A_54 = vector.shape_cast %gt3A_51 : vector<256x1xi1> to vector<256x1xi1>
    %broadcast_in_dim3A_55 = vector.broadcast %broadcast_in_dim3A_54 : vector<256x1xi1> to vector<256x10xi1>
    %select_n3A_56 = arith.select %broadcast_in_dim3A_55, %get3A_47, %broadcast_in_dim3A_53 : vector<256x10xi1>, vector<256x10xf32>
    %eq3A = arith.constant 0.000000e+00 : f32
    %eq3A_57 = vector.broadcast %eq3A : f32 to vector<256x10xf32>
    %eq3A_58 = arith.cmpf oeq, %select_n3A_56, %eq3A_57 : vector<256x10xf32>
    %jit3A = arith.constant 0xFF800000 : f32
    %broadcast_in_dim3A_59 = vector.broadcast %jit3A : f32 to vector<256x10xf32>
    %select_n3A_60 = arith.select %eq3A_58, %broadcast_in_dim3A_59, %add3A_44 : vector<256x10xi1>, vector<256x10xf32>
    %reduce_max3A = arith.constant dense<0xFF800000> : vector<256xf32>
    %reduce_max3A_61 = vector.multi_reduction <maximumf>, %select_n3A_60, %reduce_max3A [1] : vector<256x10xf32> to vector<256xf32>
    %broadcast_in_dim3A_62 = vector.shape_cast %reduce_max3A_61 : vector<256xf32> to vector<256x1xf32>
    %sub3A_63 = vector.broadcast %broadcast_in_dim3A_62 : vector<256x1xf32> to vector<256x10xf32>
    %sub3A_64 = arith.subf %select_n3A_60, %sub3A_63 : vector<256x10xf32>
    %exp3A_65 = math.exp %sub3A_64 : vector<256x10xf32>
    %reduce_sum3A_66 = arith.constant dense<0.000000e+00> : vector<256xf32>
    %reduce_sum3A_67 = vector.multi_reduction <add>, %exp3A_65, %reduce_sum3A_66 [1] : vector<256x10xf32> to vector<256xf32>
    %broadcast_in_dim3A_68 = vector.shape_cast %reduce_sum3A_67 : vector<256xf32> to vector<256x1xf32>
    %div3A_69 = vector.broadcast %broadcast_in_dim3A_68 : vector<256x1xf32> to vector<256x10xf32>
    %div3A_70 = arith.divf %exp3A_65, %div3A_69 : vector<256x10xf32>
    %ne3A = arith.cmpf one, %div3A_70, %div3A_70 : vector<256x10xf32>
    %reduce_or3A = arith.constant 1.000000e+00 : f32
    %reduce_or3A_71 = arith.constant 0.000000e+00 : f32
    %reduce_or3A_72 = vector.broadcast %reduce_or3A : f32 to vector<256x10xf32>
    %reduce_or3A_73 = vector.broadcast %reduce_or3A_71 : f32 to vector<256x10xf32>
    %reduce_or3A_74 = arith.select %ne3A, %reduce_or3A_72, %reduce_or3A_73 : vector<256x10xi1>, vector<256x10xf32>
    %reduce_or3A_75 = arith.constant dense<0xFF800000> : vector<256xf32>
    %reduce_or3A_76 = vector.multi_reduction <maximumf>, %reduce_or3A_74, %reduce_or3A_75 [1] : vector<256x10xf32> to vector<256xf32>
    %reduce_or3A_77 = arith.constant 0.000000e+00 : f32
    %reduce_or3A_78 = vector.broadcast %reduce_or3A_77 : f32 to vector<256xf32>
    %reduce_or3A_79 = arith.cmpf ogt, %reduce_or3A_76, %reduce_or3A_78 : vector<256xf32>
    %broadcast_in_dim3A_80 = vector.shape_cast %reduce_or3A_79 : vector<256xi1> to vector<256x1xi1>
    %broadcast_in_dim3A_81 = arith.constant 1.000000e-01 : f32
    %broadcast_in_dim3A_82 = vector.broadcast %broadcast_in_dim3A_81 : f32 to vector<256x10xf32>
    %broadcast_in_dim3A_83 = vector.shape_cast %broadcast_in_dim3A_80 : vector<256x1xi1> to vector<256x1xi1>
    %broadcast_in_dim3A_84 = vector.broadcast %broadcast_in_dim3A_83 : vector<256x1xi1> to vector<256x10xi1>
    %select_n3A_85 = arith.select %broadcast_in_dim3A_84, %broadcast_in_dim3A_82, %div3A_70 : vector<256x10xi1>, vector<256x10xf32>
    %swap3A = arith.constant 0 : index
    %swap3A_86 = arith.constant 0 : index
    %swap3A_87 = vector.load %arg13[%swap3A, %swap3A_86] : memref<256x10xf32, #tpu.memory_space<vmem>>, vector<256x10xf32>
    tpu.vector_store %arg13[%swap3A, %swap3A_86], %select_n3A_85 {strides = array<i32>} : memref<256x10xf32, #tpu.memory_space<vmem>>, vector<256x10xf32>,
    %get3A_88 = arith.constant 0 : index
    %get3A_89 = arith.constant 0 : index
    %get3A_90 = vector.load %arg9[%get3A_88, %get3A_89] : memref<256x256xf32, #tpu.memory_space<vmem>>, vector<256x256xf32>
    %dot_general3A_91 = arith.constant dense<0.000000e+00> : vector<256x256xf32>
    %dot_general3A_92 = tpu.matmul %concatenate3A, %get3A_90, %dot_general3A_91 {dimension_numbers = #tpu.dot_dimension_numbers<[1], [0], [0], [1], [0, 0, 1, 1], [], []>, transpose_lhs_hint = false} : vector<256x256xf32>, vector<256x256xf32>, vector<256x256xf32> -> vector<256x256xf32>
    %get3A_93 = arith.constant 0 : index
    %get3A_94 = arith.constant 0 : index
    %get3A_95 = vector.load %arg10[%get3A_93, %get3A_94] : memref<1x256xf32, #tpu.memory_space<vmem>>, vector<1x256xf32>
    %add3A_96 = vector.broadcast %get3A_95 : vector<1x256xf32> to vector<256x256xf32>
    %add3A_97 = arith.addf %dot_general3A_92, %add3A_96 : vector<256x256xf32>
    %gt3A_98 = arith.constant 0.000000e+00 : f32
    %gt3A_99 = vector.broadcast %gt3A_98 : f32 to vector<256x256xf32>
    %gt3A_100 = arith.cmpf ogt, %add3A_97, %gt3A_99 : vector<256x256xf32>
    %exp3A_101 = math.exp %add3A_97 : vector<256x256xf32>
    %sub3A_102 = arith.constant 1.000000e+00 : f32
    %sub3A_103 = vector.broadcast %sub3A_102 : f32 to vector<256x256xf32>
    %sub3A_104 = arith.subf %exp3A_101, %sub3A_103 : vector<256x256xf32>
    %select_n3A_105 = arith.select %gt3A_100, %add3A_97, %sub3A_104 : vector<256x256xi1>, vector<256x256xf32>
    %get3A_106 = arith.constant 0 : index
    %get3A_107 = arith.constant 0 : index
    %get3A_108 = vector.load %arg11[%get3A_106, %get3A_107] : memref<256x1xf32, #tpu.memory_space<vmem>>, vector<256x1xf32>
    %dot_general3A_109 = arith.constant dense<0.000000e+00> : vector<256x1xf32>
    %dot_general3A_110 = tpu.matmul %select_n3A_105, %get3A_108, %dot_general3A_109 {dimension_numbers = #tpu.dot_dimension_numbers<[1], [0], [0], [1], [0, 0, 1, 1], [], []>, transpose_lhs_hint = false} : vector<256x256xf32>, vector<256x1xf32>, vector<256x1xf32> -> vector<256x1xf32>
    %get3A_111 = arith.constant 0 : index
    %get3A_112 = arith.constant 0 : index
    %get3A_113 = vector.load %arg12[%get3A_111, %get3A_112] : memref<1x1xf32, #tpu.memory_space<vmem>>, vector<1x1xf32>
    %add3A_114 = vector.broadcast %get3A_113 : vector<1x1xf32> to vector<256x1xf32>
    %add3A_115 = arith.addf %dot_general3A_110, %add3A_114 : vector<256x1xf32>
    %swap3A_116 = arith.constant 0 : index
    %swap3A_117 = arith.constant 0 : index
    %swap3A_118 = vector.load %arg14[%swap3A_116, %swap3A_117] : memref<256x1xf32, #tpu.memory_space<vmem>>, vector<256x1xf32>
    tpu.vector_store %arg14[%swap3A_116, %swap3A_117], %add3A_115 {strides = array<i32>} : memref<256x1xf32, #tpu.memory_space<vmem>>, vector<256x1xf32>,
    return
  }
}

</mosaic_0001>

<sc_bundles>
// kernel: _run.5.cloned.1.call-start
scs
__scs_entry_jumppad:
0x0: {  	(pc) =	sbr.rel $0x88, $3  }
0x1: {  	(tag) =	ssettag $0x0;
	lr =	simm.s32 $0x1  }
0x2: {  	[smem:$0x3F8F] =	sst lr;
	_ =	strace $0xD0000000  }
0x3: {  	_ = 	snop  }
0x4: {  	_ = 	snop  }
0x5: {  	_ = 	snop  }
0x6: {  	_ = 	snop  }
0x7: {  	_ = 	snop  }
__scs_overlays_trampoline_lowered:
0x8: {  	[smem:$0x3F9E] =	sst s0  }
0x9: {  	[smem:$0x3F9F] =	sst s1  }
0xa: {  	[smem:$0x3FA0] =	sst s2  }
0xb: {  	[smem:$0x3FA1] =	sst s3  }
0xc: {  	[smem:$0x3FA2] =	sst s4  }
0xd: {  	[smem:$0x3FA3] =	sst s5  }
0xe: {  	[smem:$0x3FA4] =	sst s6  }
0xf: {  	[smem:$0x3FA5] =	sst s7  }
0x10: {  	[smem:$0x3FA6] =	sst s8  }
0x11: {  	[smem:$0x3FA7] =	sst s9;
	s0 =	simm.s32 @!p0 $0x0  }
0x12: {  	s1 =	sld [smem:$0x3F8D];
	s0 =	simm.s32 @p0 $0x1  }
0x13: {  	[smem:$0x3FA8] =	sst s0;
	s0 =	simm.s32 @!p1 $0x0  }
0x14: {  	s2 =	sld [smem:$0x3F8C];
	s0 =	simm.s32 @p1 $0x1  }
0x15: {  	[smem:$0x3FA9] =	sst s0;
	s0 =	simm.s32 @!p2 $0x0  }
0x16: {  	s3 =	sld [smem:$0x3FDB];
	s0 =	simm.s32 @p2 $0x1  }
0x17: {  	s4 =	simm.s32 $0x1BF5;
	[smem:$0x3FAB] =	sst s0  }
0x18: {  	s0 =	sld [smem:$0x3F8E];
	_ =	swait.ge [sflag:s4], $0x0  }
0x19: {  	s7 =	sld [smem:$0x3F8F]  }
0x1a: {  	s8 =	sadd.s32 $0xFFFFE003, lr  }
0x1b: {  	s9 =	sadd.s32 $0xFFFFFEF7, lr;
	s5 =	simm.s32 $0xFFFFFFFF;
	p2 =	slt.u32 s8, $0xFFFFF086  }
0x1c: {  	p1 =	slt.u32 s9, $0xF7A;
	s5 =	simm.s32 @!p2 $0x0  }
0x1d: {  	s5 =	simm.s32 @p1 $0x1;
	p0 =	seq.s32 s7, s2  }
0x1e: {  	s7 =	smul.u32 @!p0 $0xF7A, s2;
	p2 =	seq.s32 @!p0 s5, $0x0  }
0x1f: {  	s9 =	smul.u32 $0xF7A, s1;
	s8 =	simm.s32 @!p0 $0x1BF5;
	p2 =	por !p2, p0  }
0x20: {  	[sflag:s8] =	ssyncset.s32 @!p0 $0xFFFFF086;
	s6 =	sadd.s32 @!p0 s3, s7;
	s7 =	simm.s32 @!p0 $0x108  }
0x21: {  	s3 =	sadd.s32 s3, s9;
	s6 =	sadd.s32 @!p0 $0x88, s6;
	s7 =	simm.s32 @p2 $0x1082  }
0x22: {  	[simem:s7], [sflag:s8] =	dma.local @!p0 [hbm:s6], $0xF7A  }
0x23: {  	s9 =	sor.u32 $0xD0000000, s2;
	s6 =	simm.s32 $0x108;
	_ =	swait.ge @!p0 [sflag:s8], $0x0  }
0x24: {  	s3 =	sadd.s32 $0x88, s3;
	s6 =	simm.s32 @!p1 $0x1082;
	[sflag:s4] =	ssyncset.s32 $0xFFFFF086  }
0x25: {  	[simem:s6], [sflag:s4] =	dma.local [hbm:s3], $0xF7A  }
0x26: {  	[smem:$0x3F8F] =	sst s1;
	(tag) =	ssettag s2;
	_ =	strace s9  }
0x27: {  	s1 =	sld [smem:$0x3F9F]  }
0x28: {  	s2 =	sld [smem:$0x3FA0]  }
0x29: {  	s4 =	sld [smem:$0x3FA2]  }
0x2a: {  	p0 =	seq.s32 s5, $0x0;
	s5 =	sld [smem:$0x3FA3]  }
0x2b: {  	s6 =	sld [smem:$0x3FA4]  }
0x2c: {  	s7 =	sld [smem:$0x3FA5]  }
0x2d: {  	s3 =	simm.s32 $0x108;
	s8 =	sld [smem:$0x3FA6]  }
0x2e: {  	s3 =	simm.s32 @!p0 $0x1082;
	s9 =	sld [smem:$0x3FA7]  }
0x2f: {  	lr =	sadd.s32 s0, s3;
	s0 =	sld [smem:$0x3F9E]  }
0x30: {  	s3 =	sld [smem:$0x3FA1]  }
0x31: {  	[smem:$0x3FAA] =	sst s10  }
0x32: {  	s10 =	sld [smem:$0x3FA8];
	_ =	sdelay $0x3  }
0x33: {  	p0 =	seq.s32 s10, $0x1;
	s10 =	sld [smem:$0x3FAA];
	_ =	sdelay $0x3  }
0x34: {  	[smem:$0x3FAA] =	sst s10  }
0x35: {  	s10 =	sld [smem:$0x3FA9];
	_ =	sdelay $0x3  }
0x36: {  	p1 =	seq.s32 s10, $0x1;
	s10 =	sld [smem:$0x3FAA];
	_ =	sdelay $0x3  }
0x37: {  	[smem:$0x3FAA] =	sst s10  }
0x38: {  	s10 =	sld [smem:$0x3FAB]  }
0x39: {  	_ = 	snop;
	(pc) =	sbr.ind lr, $3  }
0x3a: {  	_ = 	snop  }
0x3b: {  	_ = 	snop  }
0x3c: {  	p2 =	seq.s32 s10, $0x1;
	s10 =	sld [smem:$0x3FAA]  }
0x3d: {  	_ =	shalt  }
0x3e: {  	_ =	shalt  }
0x3f: {  	_ =	shalt  }
0x40: {  	_ =	shalt  }
0x41: {  	_ =	shalt  }
0x42: {  	_ =	shalt  }
0x43: {  	_ =	shalt  }
0x44: {  	_ =	shalt  }
0x45: {  	_ =	shalt  }
0x46: {  	_ =	shalt  }
0x47: {  	_ =	shalt  }
0x48: {  	_ =	shalt  }
0x49: {  	_ =	shalt  }
0x4a: {  	_ =	shalt  }
0x4b: {  	_ =	shalt  }
0x4c: {  	_ =	shalt  }
0x4d: {  	_ =	shalt  }
0x4e: {  	_ =	shalt  }
0x4f: {  	_ =	shalt  }
0x50: {  	_ =	shalt  }
0x51: {  	_ =	shalt  }
0x52: {  	_ =	shalt  }
0x53: {  	_ =	shalt  }
0x54: {  	_ =	shalt  }
0x55: {  	_ =	shalt  }
0x56: {  	_ =	shalt  }
0x57: {  	_ =	shalt  }
0x58: {  	_ =	shalt  }
0x59: {  	_ =	shalt  }
0x5a: {  	_ =	shalt  }
0x5b: {  	_ =	shalt  }
0x5c: {  	_ =	shalt  }
0x5d: {  	_ =	shalt  }
0x5e: {  	_ =	shalt  }
0x5f: {  	_ =	shalt  }
0x60: {  	_ =	shalt  }
0x61: {  	_ =	shalt  }
0x62: {  	_ =	shalt  }
0x63: {  	_ =	shalt  }
0x64: {  	_ =	shalt  }
0x65: {  	_ =	shalt  }
0x66: {  	_ =	shalt  }
0x67: {  	_ =	shalt  }
0x68: {  	_ =	shalt  }
0x69: {  	_ =	shalt  }
0x6a: {  	_ =	shalt  }
0x6b: {  	_ =	shalt  }
0x6c: {  	_ =	shalt  }
0x6d: {  	_ =	shalt  }
0x6e: {  	_ =	shalt  }
0x6f: {  	_ =	shalt  }
0x70: {  	_ =	shalt  }
0x71: {  	_ =	shalt  }
0x72: {  	_ =	shalt  }
0x73: {  	_ =	shalt  }
0x74: {  	_ =	shalt  }
0x75: {  	_ =	shalt  }
0x76: {  	_ =	shalt  }
0x77: {  	_ =	shalt  }
0x78: {  	_ =	shalt  }
0x79: {  	_ =	shalt  }
0x7a: {  	_ =	shalt  }
0x7b: {  	_ =	shalt  }
0x7c: {  	_ =	shalt  }
0x7d: {  	_ =	shalt  }
0x7e: {  	_ =	shalt  }
0x7f: {  	_ =	shalt  }
0x80: {  	_ =	shalt  }
0x81: {  	_ =	shalt  }
0x82: {  	_ =	shalt  }
0x83: {  	_ =	shalt  }
0x84: {  	_ =	shalt  }
0x85: {  	_ =	shalt  }
0x86: {  	_ =	shalt  }
0x87: {  	_ =	shalt  }
.Lfunc_end0:
.L_simem_size_0:
called_computation_lowered:
.L_overlay_start_0:
0x88: {  	s2 =	sld [smem:$0x3FD9]  }
0x89: {  	s3 =	sld [smem:$0x3FFE];
	_ =	sdelay $0x1  }
0x8a: {  	s1 =	srdreg.scid  }
0x8b: {  	s0 =	sand.u32 $0x1, s1  }
0x8c: {  	s17 =	sshll.u32 s0, $0xA;
	s2 =	sadd.s32 s3, s2  }
0x8d: {  	s2 =	sadd.s32 s2, s17  }
0x8e: {  	[smem:$0x3FB6] =	sst s2  }
0x8f: {  	_ = 	snop  }
0x90: {  	s2 =	sld [smem:$0x3FC7];
	(tm) =	ssettm $0x1  }
0x91: {  	s18 =	sld [smem:$0x3FFB];
	_ =	sdelay $0x3  }
0x92: {  	_ =	strace s18  }
0x93: {  	s3 =	sld [smem:$0x3FFC];
	_ =	sdelay $0x3  }
0x94: {  	_ =	strace s3  }
0x95: {  	s3 =	sld [smem:$0x3FFD];
	_ =	sdelay $0x3  }
0x96: {  	_ =	strace s3  }
0x97: {  	_ =	strace $0x8FFFFFFF  }
0x98: {  	s19 =	sld [smem:$0x3FDB];
	_ =	sdelay $0x1  }
0x99: {  	s4 =	simm.s32 $_scs_section_size  }
0x9a: {  	s5 =	simm.s32 $_size__tile_overlayer_lowered;
	s6 =	simm.s32 $_tile_overlayer_lowered  }
0x9b: {  	s22 =	simm.s32 $0x1BFF;
	s21 =	sshll.u32 s6, $0x1;
	s3 =	sadd.s32 s4, s19  }
0x9c: {  	s7 =	simm.s32 $0x0;
	s20 =	sshll.u32 s5, $0x1;
	s5 =	sadd.s32 s21, s3  }
0x9d: {  	[timem:s7], [sflag:s22] =	dma.local [hbm:s5], s20  }
0x9e: {  	_ =	swait.ge [sflag:s22], s20  }
0x9f: {  	s4 =	ssub.s32 $0x0, s20;
	[sflag:s22] =	ssyncset.done $0x0  }
0xa0: {  	[sflag:s22] =	ssyncadd.s32 s4;
	_ =	sdelay $0x1  }
0xa1: {  	s23 =	simm.s32 $0x1B8B  }
0xa2: {  	_ =	swait.ge [sflag:s23], $0x1  }
0xa3: {  	[sflag:s23] =	ssyncset.done $0x0  }
0xa4: {  	s25 =	simm.s32 $0x1B8E;
	s24 =	sld [smem:$0x3FFE];
	[sflag:s23] =	ssyncadd.s32 $0xFFFFFFFF  }
0xa5: {  	s26 =	simm.s32 $execute0_lowered;
	[smem:$0x3FD2] =	sst s25  }
0xa6: {  	s5 =	sshll.u32 s26, $0x1;
	_ =	strace $0x80000046;
	[dreg:$0x1] =	wrdreg $0xFFFFFFFF  }
0xa7: {  	s28 =	simm.s32 $_size_execute0_lowered;
	s3 =	sadd.s32 s3, s5;
	[dreg:$0x0] =	wrdreg $0x0  }
0xa8: {  	s5 =	sshll.u32 s28, $0x1;
	[dreg:$0x2] =	wrdreg s3  }
0xa9: {  	[dreg:$0x3] =	wrdreg s5  }
0xaa: {  	[dreg:$0x4] =	wrdreg $0xC0  }
0xab: {  	_ =	task [dreg:s7], $0x5FFFF  }
0xac: {  	[dreg:$0x1] =	wrdreg $0xFFFFFFFF  }
0xad: {  	[dreg:$0x0] =	wrdreg $0x60  }
0xae: {  	[dreg:$0x2] =	wrdreg s24  }
0xaf: {  	[dreg:$0x3] =	wrdreg s2  }
0xb0: {  	[dreg:$0x4] =	wrdreg $0xB0800  }
0xb1: {  	[dreg:$0x5] =	wrdreg $0x9  }
0xb2: {  	_ =	task.clear_ibuf [dreg:s7], $0x6FFFF;
	_ =	strace $0x90000046  }
0xb3: {  	s29 =	simm.s32 $0x9;
	_ =	strace $0x80000048  }
0xb4: {  	_ =	swait.ge [sflag:s29], $0x1  }
0xb5: {  	[sflag:s29] =	ssyncadd.s32 $0xFFFFFFFF  }
0xb6: {  	_ =	strace $0x90000048  }
0xb7: {  	_ =	sfence  }
0xb8: {  	s30 =	sld [smem:$0x0];
	_ =	sdelay $0x2  }
0xb9: {  	s31 =	sshll.u32 s1, $0xD;
	s1 =	sshrl.u32 s1, $0x2  }
0xba: {  	s3 =	sand.u32 $0x4000, s31;
	s1 =	sadd.s32 s1, s30  }
0xbb: {  	s0 =	sor.u32 s3, s0;
	s1 =	sshll.u32 s1, $0x11  }
0xbc: {  	s0 =	sor.u32 s1, s0  }
0xbd: {  	s0 =	sadd.s32 $0x8F2B, s0  }
0xbe: {  	[sflag:s0] =	ssyncadd.remote.s32 $0x1  }
0xbf: {  	_ =	sfence.sel $0xFFFF  }
0xc0: {  	[dreg:$0x0] =	wrdreg $0xFFFFFFFF;
	(pc) =	sbr.abs _section_cstart, $3  }
0xc1: {  	[dreg:$0x1] =	wrdreg $0xFFFFFFFF  }
0xc2: {  	_ =	task.clear_ibuf [dreg:s7], $0x2FFFF;
	_ =	strace $0x9FFFFFFF  }
0xc3: {  	(tm) =	ssettm $0x7FFFFFFF  }
tec
execute0_lowered:
.L_overlay_start_1:
0x0: {  	(tag) =	ssettag $0x1  }
0x1: {  	s0 =	rddreg [dreg:$0x0]  }
0x2: {  	s4 =	rddreg [dreg:$0x1]  }
0x3: {  	s1 =	rddreg [dreg:$0x2];
	s2 =	simm.s32 $0x0;
	s3 =	srdreg.scid  }
0x4: {  	s14 =	stileid.u32;
	s15 =	simm.s32 $0x3;
	s16 =	simm.s32 $0x1  }
0x5: {  	s17 =	simm.s32 $0x2;
	s18 =	simm.s32 $0x40;
	s19 =	simm.s32 $0xA080  }
0x6: {  	s20 =	simm.s32 $0x2000;
	s21 =	simm.s32 $0xA100;
	s22 =	simm.s32 $0x4000  }
0x7: {  	s28 =	simm.s32 $0xA400;
	s29 =	simm.s32 $0x8;
	s30 =	simm.s32 $0xA480  }
0x8: {  	s31 =	simm.s32 $0x0;
	[smem:$0x7FF] =	sst s2;
	s9 =	sand.u32 $0x1, s3  }
0x9: {  	s3 =	sadd.s32 $0x4200, s0;
	s6 =	sshll.u32 s14, $0x8;
	s24 =	sshll.u32 s14, $0xB  }
0xa: {  	p0 =	sne.s32 s14, $0x0;
	_ =	strace $0x80000047;
	s5 =	sshll.u32 s9, $0x4  }
0xb: {  	s23 =	ssub.s32 $0x2, s9;
	s12 =	sadd.s32 s6, s0;
	s25 =	sshll.u32 s9, $0xC  }
0xc: {  	s10 =	sor.u32 s14, s5;
	s8 =	sshrl.u32 s23, $0x1;
	s26 =	sadd.s32 s25, s12  }
0xd: {  	s14 =	simm.s32 $0xA880;
	s25 =	simm.s32 $0xA200;
	s7 =	sshll.u32 s10, $0x7  }
0xe: {  	s11 =	smul.u32 $0x1400, s10;
	s13 =	ssub.s32 s23, s8;
	s8 =	sadd.s32 $0x8000, s1  }
0xf: {  	s9 =	sadd.s32 s4, s10;
	s23 =	simm.s32 $0xA180;
	s0 =	sadd.s32 s7, s0  }
0x10: {  	s7 =	sadd.s32 s24, s1;
	s12 =	smax.u32 s13, $0x1;
	s13 =	simm.s32 $0xA000  }
0x11: {  	s24 =	simm.s32 $0x6000;
	s5 =	sadd.s32 s3, s11;
	s6 =	sadd.s32 $0x3200, s0  }
0x12: {  	v0 =	vimm.f32 $0.0e+00;
	s10 =	sadd.s32 $0x2E200, s0;
	s11 =	sadd.s32 $0x2C200, s26;
	s26 =	simm.s32 $0x8000  }
.LBB2_1:
0x13: {  	[tilespmem:s2], [sflag:$0x1] =	stream.linear.gather [hbm4b:s5+s2], $0xA000, $0x38;
	[tilespmem:$0xB900] =	vst v63  }
0x14: {  	s0 =	simm.s32 $0x0;
	s4 =	simm.s32 $0x200  }
0x15: {  	[tilespmem:s13], [sflag:$0x2] =	stream.linear.gather [hbm4b:s6+s2], $0x280, $0x38;
	[tilespmem:$0xB900] =	vst v63  }
.LBB2_2:
0x16: {  	p1 =	sne.s32 s4, $0x1E00;
	[tilespmem:s0+$0xA8F0] =	vst v0  }
0x17: {  	[tilespmem:s0+$0xA880] =	vst v0  }
0x18: {  	[tilespmem:s0+$0xA890] =	vst v0  }
.Ltmp0:
0x19: {  	[tilespmem:s0+$0xA8A0] =	vst v0;
	(pc) =	sbr.rel @p1 .LBB2_2-.Ltmp0, $4  }
0x1a: {  	[tilespmem:s0+$0xA8B0] =	vst v0  }
0x1b: {  	[tilespmem:s0+$0xA8C0] =	vst v0  }
0x1c: {  	[tilespmem:s0+$0xA8D0] =	vst v0  }
0x1d: {  	[tilespmem:s0+$0xA8E0] =	vst v0;
	s0 =	sshra.s32 s4, $0x2;
	s4 =	sadd.s32 $0x200, s4  }
0x1e: {  	[tilespmem:s0+$0xA8F0] =	vst v0  }
0x1f: {  	[tilespmem:s0+$0xA880] =	vst v0  }
0x20: {  	[tilespmem:s0+$0xA890] =	vst v0  }
0x21: {  	[tilespmem:s0+$0xA8A0] =	vst v0  }
0x22: {  	[tilespmem:s0+$0xA8B0] =	vst v0  }
0x23: {  	[tilespmem:s0+$0xA8C0] =	vst v0  }
0x24: {  	[tilespmem:s0+$0xA8D0] =	vst v0  }
0x25: {  	[tilespmem:s0+$0xA8E0] =	vst v0  }
0x26: {  	[spmem:s7] =	stream.linear.scatter [tilespmem:s14], [sflag:$0x3], $0x800, $0x38;
	[tilespmem:$0xB900] =	vst v63  }
0x27: {  	_ =	swait.ge [sflag:s15], $0x800  }
0x28: {  	[sflag:s15] =	ssyncset.done $0x0  }
0x29: {  	s0 =	simm.s32 @!p0 $0xA880;
	[sflag:s15] =	ssyncadd.s32 $0xFFFFF800  }
0x2a: {  	[spmem:s8] =	stream.linear.scatter @!p0 [tilespmem:s0], [sflag:$0x3], $0x800, $0x38;
	[tilespmem:$0xB900] =	vst v63  }
0x2b: {  	s0 =	simm.s32 @!p0 $0x3  }
0x2c: {  	_ =	swait.ge @!p0 [sflag:s0], $0x800  }
0x2d: {  	[sflag:s0] =	ssyncset.done @!p0 $0x0  }
0x2e: {  	[sflag:s0] =	ssyncadd.s32 @!p0 $0xFFFFF800  }
0x2f: {  	_ =	swait.ge [sflag:s16], $0xA000  }
0x30: {  	[sflag:s16] =	ssyncset.done $0x0  }
0x31: {  	[sflag:s16] =	ssyncadd.s32 $0xFFFF6000  }
0x32: {  	_ =	swait.ge [sflag:s17], $0x280  }
0x33: {  	[sflag:s17] =	ssyncset.done $0x0  }
0x34: {  	[sflag:s17] =	ssyncadd.s32 $0xFFFFFD80  }
0x35: {  	[bflag:$0x0] =	sbarrier.arrive $0xFFFF  }
0x36: {  	[spmem:s1] =	stream.indirect.scatter.add.f32 [tilespmem:s2], [sflag:$0x1], $0x80, s13, s18, $0xb8;
	[tilespmem:$0xB900] =	vst v63  }
0x37: {  	_ = 	snop  }
0x38: {  	[spmem:s1] =	stream.indirect.scatter.add.f32 [tilespmem:s20], [sflag:$0x1], $0x80, s19, s18, $0xb8;
	[tilespmem:$0xB900] =	vst v63  }
0x39: {  	_ = 	snop  }
0x3a: {  	[spmem:s1] =	stream.indirect.scatter.add.f32 [tilespmem:s22], [sflag:$0x1], $0x80, s21, s18, $0xb8;
	[tilespmem:$0xB900] =	vst v63  }
0x3b: {  	_ = 	snop  }
0x3c: {  	[spmem:s1] =	stream.indirect.scatter.add.f32 [tilespmem:s24], [sflag:$0x1], $0x80, s23, s18, $0xb8;
	[tilespmem:$0xB900] =	vst v63  }
0x3d: {  	_ = 	snop  }
0x3e: {  	[spmem:s1] =	stream.indirect.scatter.add.f32 [tilespmem:s26], [sflag:$0x1], $0x80, s25, s18, $0xb8;
	[tilespmem:$0xB900] =	vst v63  }
0x3f: {  	_ = 	snop  }
0x40: {  	[tilespmem:s28], [sflag:$0x3] =	stream.linear.gather [hbm4b:s9+s2], $0x8, $0x38;
	[tilespmem:$0xB900] =	vst v63  }
0x41: {  	_ =	swait.ge [sflag:s15], $0x8  }
0x42: {  	[sflag:s15] =	ssyncset.done $0x0  }
0x43: {  	[sflag:s15] =	ssyncadd.s32 $0xFFFFFFF8  }
0x44: {  	[tilespmem:s30], [sflag:$0x2] =	stream.indirect.gather [hbm4b:s3+s29], $0x80, s28, s29, $0xb8;
	[tilespmem:$0xB900] =	vst v63  }
0x45: {  	_ =	swait.ge [sflag:s17], $0x400  }
0x46: {  	[sflag:s17] =	ssyncset.done $0x0  }
0x47: {  	[sflag:s17] =	ssyncadd.s32 $0xFFFFFC00  }
0x48: {  	[hbm4b:s10+s2] =	stream.linear.scatter [tilespmem:s30], [sflag:$0x3], $0x400, $0x38;
	[tilespmem:$0xB900] =	vst v63  }
0x49: {  	_ =	swait.ge [sflag:s15], $0x400  }
0x4a: {  	[sflag:s15] =	ssyncset.done $0x0  }
0x4b: {  	[sflag:s15] =	ssyncadd.s32 $0xFFFFFC00  }
0x4c: {  	_ =	swait.ge [sflag:s16], $0x2000  }
0x4d: {  	[sflag:s16] =	ssyncset.done $0x0  }
0x4e: {  	[sflag:s16] =	ssyncadd.s32 $0xFFFFE000  }
0x4f: {  	_ =	swait.ge [sflag:s16], $0x2000  }
0x50: {  	[sflag:s16] =	ssyncset.done $0x0  }
0x51: {  	[sflag:s16] =	ssyncadd.s32 $0xFFFFE000  }
0x52: {  	_ =	swait.ge [sflag:s16], $0x2000  }
0x53: {  	[sflag:s16] =	ssyncset.done $0x0  }
0x54: {  	[sflag:s16] =	ssyncadd.s32 $0xFFFFE000  }
0x55: {  	_ =	swait.ge [sflag:s16], $0x2000  }
0x56: {  	[sflag:s16] =	ssyncset.done $0x0  }
0x57: {  	[sflag:s16] =	ssyncadd.s32 $0xFFFFE000  }
0x58: {  	s31 =	sadd.s32 $0x1, s31;
	_ =	swait.ge [sflag:s16], $0x2000  }
0x59: {  	s4 =	stileid.u32;
	p1 =	sne.s32 s31, s12;
	[sflag:s16] =	ssyncset.done $0x0  }
0x5a: {  	s0 =	sshll.u32 s4, $0x6;
	s4 =	sshrl.u32 s7, $0x3;
	[sflag:s16] =	ssyncadd.s32 $0xFFFFE000  }
.Ltmp1:
0x5b: {  	s0 =	sor.u32 $0x1C03, s0;
	[bflag:$0x0] =	sbarrier.arrive $0xFFFF;
	(pc) =	sbr.rel @p1 .LBB2_1-.Ltmp1, $4  }
0x5c: {  	[hbm:s11], [sflag:s0] =	dma.local [spmem:s4], $0x100  }
0x5d: {  	_ =	swait.ge [sflag:s15], $0x100  }
0x5e: {  	[sflag:s15] =	ssyncset.done $0x0  }
0x5f: {  	[sflag:s15] =	ssyncadd.s32 $0xFFFFFF00  }
0x60: {  	_ =	sfence.sel $0x180000  }
0x61: {  	[bflag:$0x0] =	sbarrier.arrive $0xFFFF  }
0x62: {  	_ =	strace $0x90000047  }
0x63: {  	[bflag:$0x2] =	sbarrier.arrive $0xFFFF  }
0x64: {  	s0 =	rddreg [dreg:$0x3]  }
0x65: {  	s0 =	sadd.s32 @!p0 $0x100000, s0  }
0x66: {  	[sflag:s0] =	ssyncadd.tile.s32 @!p0 $0x1;
	_ =	shalt  }
.Lfunc_end2:
_tile_overlayer_lowered:
.L_overlay_start_2:
0x67: {  	(tag) =	ssettag $0x2  }
0x68: {  	s0 =	rddreg [dreg:$0x0];
	s2 =	stileid.u32  }
0x69: {  	s1 =	rddreg [dreg:$0x1];
	p0 =	sne.s32 s2, $0x0  }
0x6a: {  	s3 =	rddreg [dreg:$0x2];
	[bflag:$0x3] =	sbarrier.arrive $0xFFFF;
	s2 =	simm.s32 @!p0 $0x1C03  }
0x6b: {  	[timem:s3], [sflag:s2] =	dma.local @!p0 [hbm:s0], s1  }
0x6c: {  	s0 =	simm.s32 @!p0 $0x3  }
0x6d: {  	_ =	swait.ge @!p0 [sflag:s0], s1  }
0x6e: {  	s1 =	ssub.s32 @!p0 $0x0, s1;
	[sflag:s0] =	ssyncset.done @!p0 $0x0  }
0x6f: {  	[sflag:s0] =	ssyncadd.s32 @!p0 s1  }
0x70: {  	[bflag:$0x3] =	sbarrier.arrive $0xFFFF  }
0x71: {  	_ =	shalt  }

</sc_bundles>
